<compile_context>
chip_gen: v7x
topology: tpu7x:2x2x1
jax: 0.10.2.dev20260603
libtpu: 0.0.44.dev20260713+nightly
codegen_flags: <defaults>
</compile_context>

<pallas_src>
import functools

import jax
import jax.numpy as jnp
from jax import lax
from jax.experimental import pallas as pl
from jax.experimental.pallas import tpu as pltpu
from jax.experimental.pallas import tpu_sc as plsc

N = 10000
E = 160000
D = 128

NC = 2
NS = 16
NW = NC * NS

CHUNK = 128
NCH0 = 72
NCH1 = 8
NSTAGE = 32
TOT_CHUNKS = NS * (NCH0 + NCH1)
E_PAD = TOT_CHUNKS * CHUNK

N_ACC = 10240
ZROWS = N_ACC // NS
ZSTEPS = ZROWS // CHUNK

NB = 2
SLACK = 1


def _sc_aggregate_body(nf_hbm, src_hbm, dst_hbm, zeros_hbm, out_hbm,
                       sidx, didx, rows, acc_sh, *sems):
    gsem = sems[:NB]
    ssem = sems[NB:]
    cid = lax.axis_index("c")
    sid = lax.axis_index("s")

    def edge_loop(base, nchunks):
        pltpu.sync_copy(src_hbm.at[pl.ds(base, nchunks)],
                        sidx.at[pl.ds(0, nchunks)])
        pltpu.sync_copy(dst_hbm.at[pl.ds(base, nchunks)],
                        didx.at[pl.ds(0, nchunks)])

        def fire_gather(k, p):
            return pltpu.async_copy(nf_hbm.at[sidx.at[k]], rows.at[p],
                                    gsem[p])

        def wait_gather(k, p):
            pltpu.make_async_copy(nf_hbm.at[sidx.at[k]], rows.at[p],
                                  gsem[p]).wait()

        def fire_scatter(k, p):
            return pltpu.async_copy(rows.at[p], acc_sh.at[didx.at[k]],
                                    ssem[p], add=True)

        def wait_scatter(p):
            pltpu.make_async_copy(rows.at[p], acc_sh.at[didx.at[0]],
                                  ssem[p]).wait()

        for p in range(NB):
            fire_gather(p, p)

        def group(g, _):
            for p in range(NB):
                k = g * NB + p
                wait_gather(k, p)
                fire_scatter(k, p)
                q = (p + NB - SLACK) % NB
                j = k + NB - SLACK

                @pl.when(k >= SLACK)
                def _():
                    wait_scatter(q)

                @pl.when(jnp.logical_and(k >= SLACK, j < nchunks))
                def _():
                    fire_gather(j, q)
            return ()

        lax.fori_loop(0, nchunks // NB, group, ())
        for t in range(SLACK):
            wait_scatter((nchunks - SLACK + t) % NB)

    pltpu.sync_copy(zeros_hbm, rows.at[0])
    for i in range(ZSTEPS):
        pltpu.sync_copy(rows.at[0],
                        acc_sh.at[pl.ds(sid * ZROWS + i * CHUNK, CHUNK)])
    plsc.subcore_barrier()

    def run_core(base, total):
        done = 0
        while done < total:
            step = min(NSTAGE, total - done)
            edge_loop(base + done, step)
            done += step

    if NCH0 > 0:
        @pl.when(cid == 0)
        def _():
            run_core(sid * NCH0, NCH0)

    if NCH1 > 0:
        @pl.when(cid == 1)
        def _():
            run_core(NS * NCH0 + sid * NCH1, NCH1)

    plsc.subcore_barrier()
    ods = [None] * NB
    for i in range(ZSTEPS):
        p = i % NB
        r0 = sid * ZROWS + i * CHUNK
        if ods[p] is not None:
            ods[p].wait()
        pltpu.sync_copy(acc_sh.at[pl.ds(r0, CHUNK)], rows.at[p])
        ods[p] = pltpu.async_copy(rows.at[p],
                                  out_hbm.at[cid, pl.ds(r0, CHUNK)], gsem[p])
    for p in range(NB):
        if ods[p] is not None:
            ods[p].wait()


@functools.cache
def _sc_aggregate():
    return pl.kernel(
        _sc_aggregate_body,
        out_type=jax.ShapeDtypeStruct((NC, N_ACC, D), jnp.float32),
        mesh=plsc.VectorSubcoreMesh(core_axis_name="c", subcore_axis_name="s",
                                    num_cores=NC, num_subcores=NS),
        scratch_types=[
            pltpu.VMEM((NSTAGE, CHUNK), jnp.int32),
            pltpu.VMEM((NSTAGE, CHUNK), jnp.int32),
            pltpu.VMEM((NB, CHUNK, D), jnp.float32),
            pltpu.VMEM_SHARED((N_ACC, D), jnp.float32),
        ] + [pltpu.SemaphoreType.DMA] * (2 * NB),
    )


R_MLP = 2000


def _mlp_body(x_ref, p0_ref, p1_ref, eps_ref, w1_ref, b1_ref, w2_ref, b2_ref,
              w3_ref, b3_ref, h_ref):
    agg = p0_ref[0] + p1_ref[0]
    hb = (1.0 + eps_ref[0, 0]) * x_ref[...] + agg
    h1 = jnp.maximum(jnp.dot(hb, w1_ref[...],
                             preferred_element_type=jnp.float32) + b1_ref[...], 0.0)
    h2 = jnp.maximum(jnp.dot(h1, w2_ref[...],
                             preferred_element_type=jnp.float32) + b2_ref[...], 0.0)
    h3 = jnp.maximum(jnp.dot(h2, w3_ref[...],
                             preferred_element_type=jnp.float32) + b3_ref[...], 0.0)
    h_ref[...] = h3


_mlp = pl.pallas_call(
    _mlp_body,
    grid=(N // R_MLP,),
    in_specs=[
        pl.BlockSpec((R_MLP, D), lambda i: (i, 0)),
        pl.BlockSpec((1, R_MLP, D), lambda i: (0, i, 0)),
        pl.BlockSpec((1, R_MLP, D), lambda i: (1, i, 0)),
        pl.BlockSpec((1, 1), lambda i: (0, 0)),
        pl.BlockSpec((D, 16), lambda i: (0, 0)),
        pl.BlockSpec((1, 16), lambda i: (0, 0)),
        pl.BlockSpec((16, 16), lambda i: (0, 0)),
        pl.BlockSpec((1, 16), lambda i: (0, 0)),
        pl.BlockSpec((16, 1), lambda i: (0, 0)),
        pl.BlockSpec((1, 1), lambda i: (0, 0)),
    ],
    out_specs=pl.BlockSpec((R_MLP, 1), lambda i: (i, 0)),
    out_shape=jax.ShapeDtypeStruct((N, 1), jnp.float32),
)


BI = 400
BJ = 10000


def _outer_body(hi_ref, hj_ref, out_ref):
    out_ref[...] = hi_ref[...] * hj_ref[...]


_outer = pl.pallas_call(
    _outer_body,
    grid=(N // BI, N // BJ),
    in_specs=[
        pl.BlockSpec((BI, 1), lambda i, j: (i, 0)),
        pl.BlockSpec((1, BJ), lambda i, j: (0, j)),
    ],
    out_specs=pl.BlockSpec((BI, BJ), lambda i, j: (i, j)),
    out_shape=jax.ShapeDtypeStruct((N, N), jnp.float32),
)


@jax.jit
def kernel(node_feats, edge_idx, eps, W1, b1, W2, b2, W3, b3):
    src = jnp.concatenate(
        [edge_idx[0], jnp.zeros((E_PAD - E,), jnp.int32)]).reshape(TOT_CHUNKS, CHUNK)
    dst = jnp.concatenate(
        [edge_idx[1], jnp.full((E_PAD - E,), N, jnp.int32)]).reshape(TOT_CHUNKS, CHUNK)
    zeros = jnp.zeros((CHUNK, D), jnp.float32)

    partials = _sc_aggregate()(node_feats, src, dst, zeros)

    h = _mlp(node_feats, partials, partials,
             (1.0 * eps).reshape(1, 1),
             W1.T, b1.reshape(1, 16),
             W2.T, b2.reshape(1, 16),
             W3.T, b3.reshape(1, 1))

    return _outer(h, h.reshape(1, N))

# --- scband reference (transcript-rebuilt; emitter-appended) ---
"""Pipeline reference for scband-node-large-model-90950227460160 (READ-ONLY COPY).

The authoritative reference and input builder live on the scoring server;
editing this copy changes nothing except your own understanding.
"""

import jax, jax.numpy as jnp
import numpy as np

N = 10000
E = 160000
D = 128
H = 16
O = 16


def setup_inputs(seed: int = 0) -> dict:
    key = jax.random.key(seed)
    ks = jax.random.split(key, 10)
    node_feats = jax.random.normal(ks[0], (N, D), dtype=jnp.float32)
    edge_idx = jax.random.randint(ks[1], (2, E), 0, N, dtype=jnp.int32)
    # GIN epsilon (train_eps=True, initialized to 0)
    eps = jnp.zeros((), dtype=jnp.float32)
    # MLP params: Linear(D->H), Linear(H->O), Linear(O->1), all stored as (out, in)
    W1 = jax.random.normal(ks[2], (H, D), dtype=jnp.float32) * (1.0 / np.sqrt(D))
    b1 = jnp.zeros((H,), dtype=jnp.float32)
    W2 = jax.random.normal(ks[3], (O, H), dtype=jnp.float32) * (1.0 / np.sqrt(H))
    b2 = jnp.zeros((O,), dtype=jnp.float32)
    W3 = jax.random.normal(ks[4], (1, O), dtype=jnp.float32) * (1.0 / np.sqrt(O))
    b3 = jnp.zeros((1,), dtype=jnp.float32)
    return {
        "node_feats": node_feats,
        "edge_idx": edge_idx,
        "eps": eps,
        "W1": W1, "b1": b1,
        "W2": W2, "b2": b2,
        "W3": W3, "b3": b3,
    }


def reference(node_feats, edge_idx, eps, W1, b1, W2, b2, W3, b3):
    # GINConv: out = MLP((1 + eps) * x + sum_{j in N(i)} x_j)
    src = edge_idx[0]
    dst = edge_idx[1]
    msgs = jnp.take(node_feats, src, axis=0)          # gather x_j over edges
    agg = jax.ops.segment_sum(msgs, dst, num_segments=node_feats.shape[0])  # scatter-add to dst
    h = (1.0 + eps) * node_feats + agg
    h = jax.nn.relu(h @ W1.T + b1)
    h = jax.nn.relu(h @ W2.T + b2)
    h = jax.nn.relu(h @ W3.T + b3)                    # [N, 1]
    edge_feats = h @ h.T                              # [N, N] rank-1 outer product
    return edge_feats

if __name__ == "__main__":
    import jax
    _d = setup_inputs()
    print(jax.jit(kernel)(*tuple(_d.values())))

</pallas_src>

<mosaic_0001>
#map = affine_map<(d0, d1) -> (0, 0)>
#map1 = affine_map<(d0, d1) -> (0, 0, 0)>
module attributes {stable_mosaic.version = 14 : i64} {
  func.func @_sc_aggregate_body(%arg0: i32, %arg1: i32, %arg2: memref<10000x128xf32, #tpu.memory_space<hbm>>, %arg3: memref<1280x128xi32, #tpu.memory_space<hbm>>, %arg4: memref<1280x128xi32, #tpu.memory_space<hbm>>, %arg5: memref<128x128xf32, #tpu.memory_space<hbm>>, %arg6: memref<2x10240x128xf32, #tpu.memory_space<hbm>>, %arg7: memref<32x128xi32, #tpu.memory_space<vmem>>, %arg8: memref<32x128xi32, #tpu.memory_space<vmem>>, %arg9: memref<2x128x128xf32, #tpu.memory_space<vmem>>, %arg10: memref<10240x128xf32, #tpu.memory_space<vmem_shared>>, %arg11: memref<!tpu.dma_semaphore, #tpu.memory_space<semaphore_mem>>, %arg12: memref<!tpu.dma_semaphore, #tpu.memory_space<semaphore_mem>>, %arg13: memref<!tpu.dma_semaphore, #tpu.memory_space<semaphore_mem>>, %arg14: memref<!tpu.dma_semaphore, #tpu.memory_space<semaphore_mem>>) attributes {dimension_semantics = [#tpu.dimension_semantics<core_parallel>, #tpu.dimension_semantics<subcore_parallel>], iteration_bounds = array<i64: 2, 16>, scalar_prefetch = 0 : i64, scratch_operands = 8 : i64, tpu.core_type = #tpu.core_type<sc_vector_subcore>, window_params = [{transform_indices = #map}, {transform_indices = #map}, {transform_indices = #map}, {transform_indices = #map}, {transform_indices = #map1}]} {
    %run_scoped3A = arith.constant 0 : i32
    "tpu.region"() ({
      %run_scoped3A_204 = tpu.sem_alloc : memref<!tpu.dma_semaphore, #tpu.memory_space<semaphore_mem>>
      %dma_start3A_205 = arith.constant 0 : i32
      %dma_start3A_206 = arith.constant 0 : i32
      %dma_start3A_207 = tpu.memref_slice %arg9[%run_scoped3A, %dma_start3A_205, %dma_start3A_206] : memref<2x128x128xf32, #tpu.memory_space<vmem>> -> memref<1x128x128xf32, #tpu.memory_space<vmem>>
      %dma_start3A_208 = tpu.memref_squeeze %dma_start3A_207 : memref<1x128x128xf32, #tpu.memory_space<vmem>> -> memref<128x128xf32, #tpu.memory_space<vmem>>
      %dma_start3A_209 = arith.constant 0 : i32
      %dma_start3A_210 = arith.constant 0 : i32
      %dma_start3A_211 = tpu.memref_slice %arg9[%run_scoped3A, %dma_start3A_209, %dma_start3A_210] : memref<2x128x128xf32, #tpu.memory_space<vmem>> -> memref<1x128x128xf32, #tpu.memory_space<vmem>>
      %dma_start3A_212 = tpu.memref_squeeze %dma_start3A_211 : memref<1x128x128xf32, #tpu.memory_space<vmem>> -> memref<128x128xf32, #tpu.memory_space<vmem>>
      tpu.enqueue_dma source(%arg5 : memref<128x128xf32, #tpu.memory_space<hbm>>) target(%dma_start3A_212 : memref<128x128xf32, #tpu.memory_space<vmem>>) target_semaphore(%run_scoped3A_204 : memref<!tpu.dma_semaphore, #tpu.memory_space<semaphore_mem>>)
      %dma_wait3A_213 = arith.constant 0 : i32
      %dma_wait3A_214 = arith.constant 0 : i32
      %dma_wait3A_215 = tpu.memref_slice %arg9[%run_scoped3A, %dma_wait3A_213, %dma_wait3A_214] : memref<2x128x128xf32, #tpu.memory_space<vmem>> -> memref<1x128x128xf32, #tpu.memory_space<vmem>>
      %dma_wait3A_216 = tpu.memref_squeeze %dma_wait3A_215 : memref<1x128x128xf32, #tpu.memory_space<vmem>> -> memref<128x128xf32, #tpu.memory_space<vmem>>
      %dma_wait3A_217 = arith.constant 0 : i32
      %dma_wait3A_218 = arith.constant 0 : i32
      %dma_wait3A_219 = tpu.memref_slice %arg9[%run_scoped3A, %dma_wait3A_217, %dma_wait3A_218] : memref<2x128x128xf32, #tpu.memory_space<vmem>> -> memref<1x128x128xf32, #tpu.memory_space<vmem>>
      %dma_wait3A_220 = tpu.memref_squeeze %dma_wait3A_219 : memref<1x128x128xf32, #tpu.memory_space<vmem>> -> memref<128x128xf32, #tpu.memory_space<vmem>>
      tpu.wait_dma2 semaphore(%run_scoped3A_204 : memref<!tpu.dma_semaphore, #tpu.memory_space<semaphore_mem>>) src(%arg5 : memref<128x128xf32, #tpu.memory_space<hbm>>) dst(%dma_wait3A_220 : memref<128x128xf32, #tpu.memory_space<vmem>>)
      tpu.yield
    }) : () -> ()
    %mul3A = arith.constant 640 : i32
    %mul3A_0 = arith.muli %arg1, %mul3A : i32
    %add3A = arith.constant 0 : i32
    %add3A_1 = arith.addi %mul3A_0, %add3A : i32
    %run_scoped3A_2 = arith.constant 0 : i32
    "tpu.region"() ({
      %run_scoped3A_204 = tpu.sem_alloc : memref<!tpu.dma_semaphore, #tpu.memory_space<semaphore_mem>>
      %dma_start3A_205 = arith.constant 0 : i32
      %dma_start3A_206 = arith.constant 0 : i32
      %dma_start3A_207 = tpu.memref_slice %arg9[%run_scoped3A_2, %dma_start3A_205, %dma_start3A_206] : memref<2x128x128xf32, #tpu.memory_space<vmem>> -> memref<1x128x128xf32, #tpu.memory_space<vmem>>
      %dma_start3A_208 = tpu.memref_squeeze %dma_start3A_207 : memref<1x128x128xf32, #tpu.memory_space<vmem>> -> memref<128x128xf32, #tpu.memory_space<vmem>>
      %dma_start3A_209 = arith.constant 0 : i32
      %dma_start3A_210 = tpu.memref_slice %arg10[%add3A_1, %dma_start3A_209] : memref<10240x128xf32, #tpu.memory_space<vmem_shared>> -> memref<128x128xf32, #tpu.memory_space<vmem_shared>>
      %dma_start3A_211 = arith.constant 0 : i32
      %dma_start3A_212 = tpu.memref_slice %arg10[%add3A_1, %dma_start3A_211] : memref<10240x128xf32, #tpu.memory_space<vmem_shared>> -> memref<128x128xf32, #tpu.memory_space<vmem_shared>>
      %dma_start3A_213 = arith.constant 0 : i32
      %dma_start3A_214 = arith.constant 0 : i32
      %dma_start3A_215 = tpu.memref_slice %arg9[%run_scoped3A_2, %dma_start3A_213, %dma_start3A_214] : memref<2x128x128xf32, #tpu.memory_space<vmem>> -> memref<1x128x128xf32, #tpu.memory_space<vmem>>
      %dma_start3A_216 = tpu.memref_squeeze %dma_start3A_215 : memref<1x128x128xf32, #tpu.memory_space<vmem>> -> memref<128x128xf32, #tpu.memory_space<vmem>>
      tpu.enqueue_dma source(%dma_start3A_216 : memref<128x128xf32, #tpu.memory_space<vmem>>) target(%dma_start3A_212 : memref<128x128xf32, #tpu.memory_space<vmem_shared>>) target_semaphore(%run_scoped3A_204 : memref<!tpu.dma_semaphore, #tpu.memory_space<semaphore_mem>>)
      %dma_wait3A_217 = arith.constant 0 : i32
      %dma_wait3A_218 = arith.constant 0 : i32
      %dma_wait3A_219 = tpu.memref_slice %arg9[%run_scoped3A_2, %dma_wait3A_217, %dma_wait3A_218] : memref<2x128x128xf32, #tpu.memory_space<vmem>> -> memref<1x128x128xf32, #tpu.memory_space<vmem>>
      %dma_wait3A_220 = tpu.memref_squeeze %dma_wait3A_219 : memref<1x128x128xf32, #tpu.memory_space<vmem>> -> memref<128x128xf32, #tpu.memory_space<vmem>>
      %dma_wait3A_221 = arith.constant 0 : i32
      %dma_wait3A_222 = tpu.memref_slice %arg10[%add3A_1, %dma_wait3A_221] : memref<10240x128xf32, #tpu.memory_space<vmem_shared>> -> memref<128x128xf32, #tpu.memory_space<vmem_shared>>
      %dma_wait3A_223 = arith.constant 0 : i32
      %dma_wait3A_224 = tpu.memref_slice %arg10[%add3A_1, %dma_wait3A_223] : memref<10240x128xf32, #tpu.memory_space<vmem_shared>> -> memref<128x128xf32, #tpu.memory_space<vmem_shared>>
      %dma_wait3A_225 = arith.constant 0 : i32
      %dma_wait3A_226 = arith.constant 0 : i32
      %dma_wait3A_227 = tpu.memref_slice %arg9[%run_scoped3A_2, %dma_wait3A_225, %dma_wait3A_226] : memref<2x128x128xf32, #tpu.memory_space<vmem>> -> memref<1x128x128xf32, #tpu.memory_space<vmem>>
      %dma_wait3A_228 = tpu.memref_squeeze %dma_wait3A_227 : memref<1x128x128xf32, #tpu.memory_space<vmem>> -> memref<128x128xf32, #tpu.memory_space<vmem>>
      tpu.wait_dma2 semaphore(%run_scoped3A_204 : memref<!tpu.dma_semaphore, #tpu.memory_space<semaphore_mem>>) src(%dma_wait3A_228 : memref<128x128xf32, #tpu.memory_space<vmem>>) dst(%dma_wait3A_224 : memref<128x128xf32, #tpu.memory_space<vmem_shared>>)
      tpu.yield
    }) : () -> ()
    %mul3A_3 = arith.constant 640 : i32
    %mul3A_4 = arith.muli %arg1, %mul3A_3 : i32
    %add3A_5 = arith.constant 128 : i32
    %add3A_6 = arith.addi %mul3A_4, %add3A_5 : i32
    %run_scoped3A_7 = arith.constant 0 : i32
    "tpu.region"() ({
      %run_scoped3A_204 = tpu.sem_alloc : memref<!tpu.dma_semaphore, #tpu.memory_space<semaphore_mem>>
      %dma_start3A_205 = arith.constant 0 : i32
      %dma_start3A_206 = arith.constant 0 : i32
      %dma_start3A_207 = tpu.memref_slice %arg9[%run_scoped3A_7, %dma_start3A_205, %dma_start3A_206] : memref<2x128x128xf32, #tpu.memory_space<vmem>> -> memref<1x128x128xf32, #tpu.memory_space<vmem>>
      %dma_start3A_208 = tpu.memref_squeeze %dma_start3A_207 : memref<1x128x128xf32, #tpu.memory_space<vmem>> -> memref<128x128xf32, #tpu.memory_space<vmem>>
      %dma_start3A_209 = arith.constant 0 : i32
      %dma_start3A_210 = tpu.memref_slice %arg10[%add3A_6, %dma_start3A_209] : memref<10240x128xf32, #tpu.memory_space<vmem_shared>> -> memref<128x128xf32, #tpu.memory_space<vmem_shared>>
      %dma_start3A_211 = arith.constant 0 : i32
      %dma_start3A_212 = tpu.memref_slice %arg10[%add3A_6, %dma_start3A_211] : memref<10240x128xf32, #tpu.memory_space<vmem_shared>> -> memref<128x128xf32, #tpu.memory_space<vmem_shared>>
      %dma_start3A_213 = arith.constant 0 : i32
      %dma_start3A_214 = arith.constant 0 : i32
      %dma_start3A_215 = tpu.memref_slice %arg9[%run_scoped3A_7, %dma_start3A_213, %dma_start3A_214] : memref<2x128x128xf32, #tpu.memory_space<vmem>> -> memref<1x128x128xf32, #tpu.memory_space<vmem>>
      %dma_start3A_216 = tpu.memref_squeeze %dma_start3A_215 : memref<1x128x128xf32, #tpu.memory_space<vmem>> -> memref<128x128xf32, #tpu.memory_space<vmem>>
      tpu.enqueue_dma source(%dma_start3A_216 : memref<128x128xf32, #tpu.memory_space<vmem>>) target(%dma_start3A_212 : memref<128x128xf32, #tpu.memory_space<vmem_shared>>) target_semaphore(%run_scoped3A_204 : memref<!tpu.dma_semaphore, #tpu.memory_space<semaphore_mem>>)
      %dma_wait3A_217 = arith.constant 0 : i32
      %dma_wait3A_218 = arith.constant 0 : i32
      %dma_wait3A_219 = tpu.memref_slice %arg9[%run_scoped3A_7, %dma_wait3A_217, %dma_wait3A_218] : memref<2x128x128xf32, #tpu.memory_space<vmem>> -> memref<1x128x128xf32, #tpu.memory_space<vmem>>
      %dma_wait3A_220 = tpu.memref_squeeze %dma_wait3A_219 : memref<1x128x128xf32, #tpu.memory_space<vmem>> -> memref<128x128xf32, #tpu.memory_space<vmem>>
      %dma_wait3A_221 = arith.constant 0 : i32
      %dma_wait3A_222 = tpu.memref_slice %arg10[%add3A_6, %dma_wait3A_221] : memref<10240x128xf32, #tpu.memory_space<vmem_shared>> -> memref<128x128xf32, #tpu.memory_space<vmem_shared>>
      %dma_wait3A_223 = arith.constant 0 : i32
      %dma_wait3A_224 = tpu.memref_slice %arg10[%add3A_6, %dma_wait3A_223] : memref<10240x128xf32, #tpu.memory_space<vmem_shared>> -> memref<128x128xf32, #tpu.memory_space<vmem_shared>>
      %dma_wait3A_225 = arith.constant 0 : i32
      %dma_wait3A_226 = arith.constant 0 : i32
      %dma_wait3A_227 = tpu.memref_slice %arg9[%run_scoped3A_7, %dma_wait3A_225, %dma_wait3A_226] : memref<2x128x128xf32, #tpu.memory_space<vmem>> -> memref<1x128x128xf32, #tpu.memory_space<vmem>>
      %dma_wait3A_228 = tpu.memref_squeeze %dma_wait3A_227 : memref<1x128x128xf32, #tpu.memory_space<vmem>> -> memref<128x128xf32, #tpu.memory_space<vmem>>
      tpu.wait_dma2 semaphore(%run_scoped3A_204 : memref<!tpu.dma_semaphore, #tpu.memory_space<semaphore_mem>>) src(%dma_wait3A_228 : memref<128x128xf32, #tpu.memory_space<vmem>>) dst(%dma_wait3A_224 : memref<128x128xf32, #tpu.memory_space<vmem_shared>>)
      tpu.yield
    }) : () -> ()
    %mul3A_8 = arith.constant 640 : i32
    %mul3A_9 = arith.muli %arg1, %mul3A_8 : i32
    %add3A_10 = arith.constant 256 : i32
    %add3A_11 = arith.addi %mul3A_9, %add3A_10 : i32
    %run_scoped3A_12 = arith.constant 0 : i32
    "tpu.region"() ({
      %run_scoped3A_204 = tpu.sem_alloc : memref<!tpu.dma_semaphore, #tpu.memory_space<semaphore_mem>>
      %dma_start3A_205 = arith.constant 0 : i32
      %dma_start3A_206 = arith.constant 0 : i32
      %dma_start3A_207 = tpu.memref_slice %arg9[%run_scoped3A_12, %dma_start3A_205, %dma_start3A_206] : memref<2x128x128xf32, #tpu.memory_space<vmem>> -> memref<1x128x128xf32, #tpu.memory_space<vmem>>
      %dma_start3A_208 = tpu.memref_squeeze %dma_start3A_207 : memref<1x128x128xf32, #tpu.memory_space<vmem>> -> memref<128x128xf32, #tpu.memory_space<vmem>>
      %dma_start3A_209 = arith.constant 0 : i32
      %dma_start3A_210 = tpu.memref_slice %arg10[%add3A_11, %dma_start3A_209] : memref<10240x128xf32, #tpu.memory_space<vmem_shared>> -> memref<128x128xf32, #tpu.memory_space<vmem_shared>>
      %dma_start3A_211 = arith.constant 0 : i32
      %dma_start3A_212 = tpu.memref_slice %arg10[%add3A_11, %dma_start3A_211] : memref<10240x128xf32, #tpu.memory_space<vmem_shared>> -> memref<128x128xf32, #tpu.memory_space<vmem_shared>>
      %dma_start3A_213 = arith.constant 0 : i32
      %dma_start3A_214 = arith.constant 0 : i32
      %dma_start3A_215 = tpu.memref_slice %arg9[%run_scoped3A_12, %dma_start3A_213, %dma_start3A_214] : memref<2x128x128xf32, #tpu.memory_space<vmem>> -> memref<1x128x128xf32, #tpu.memory_space<vmem>>
      %dma_start3A_216 = tpu.memref_squeeze %dma_start3A_215 : memref<1x128x128xf32, #tpu.memory_space<vmem>> -> memref<128x128xf32, #tpu.memory_space<vmem>>
      tpu.enqueue_dma source(%dma_start3A_216 : memref<128x128xf32, #tpu.memory_space<vmem>>) target(%dma_start3A_212 : memref<128x128xf32, #tpu.memory_space<vmem_shared>>) target_semaphore(%run_scoped3A_204 : memref<!tpu.dma_semaphore, #tpu.memory_space<semaphore_mem>>)
      %dma_wait3A_217 = arith.constant 0 : i32
      %dma_wait3A_218 = arith.constant 0 : i32
      %dma_wait3A_219 = tpu.memref_slice %arg9[%run_scoped3A_12, %dma_wait3A_217, %dma_wait3A_218] : memref<2x128x128xf32, #tpu.memory_space<vmem>> -> memref<1x128x128xf32, #tpu.memory_space<vmem>>
      %dma_wait3A_220 = tpu.memref_squeeze %dma_wait3A_219 : memref<1x128x128xf32, #tpu.memory_space<vmem>> -> memref<128x128xf32, #tpu.memory_space<vmem>>
      %dma_wait3A_221 = arith.constant 0 : i32
      %dma_wait3A_222 = tpu.memref_slice %arg10[%add3A_11, %dma_wait3A_221] : memref<10240x128xf32, #tpu.memory_space<vmem_shared>> -> memref<128x128xf32, #tpu.memory_space<vmem_shared>>
      %dma_wait3A_223 = arith.constant 0 : i32
      %dma_wait3A_224 = tpu.memref_slice %arg10[%add3A_11, %dma_wait3A_223] : memref<10240x128xf32, #tpu.memory_space<vmem_shared>> -> memref<128x128xf32, #tpu.memory_space<vmem_shared>>
      %dma_wait3A_225 = arith.constant 0 : i32
      %dma_wait3A_226 = arith.constant 0 : i32
      %dma_wait3A_227 = tpu.memref_slice %arg9[%run_scoped3A_12, %dma_wait3A_225, %dma_wait3A_226] : memref<2x128x128xf32, #tpu.memory_space<vmem>> -> memref<1x128x128xf32, #tpu.memory_space<vmem>>
      %dma_wait3A_228 = tpu.memref_squeeze %dma_wait3A_227 : memref<1x128x128xf32, #tpu.memory_space<vmem>> -> memref<128x128xf32, #tpu.memory_space<vmem>>
      tpu.wait_dma2 semaphore(%run_scoped3A_204 : memref<!tpu.dma_semaphore, #tpu.memory_space<semaphore_mem>>) src(%dma_wait3A_228 : memref<128x128xf32, #tpu.memory_space<vmem>>) dst(%dma_wait3A_224 : memref<128x128xf32, #tpu.memory_space<vmem_shared>>)
      tpu.yield
    }) : () -> ()
    %mul3A_13 = arith.constant 640 : i32
    %mul3A_14 = arith.muli %arg1, %mul3A_13 : i32
    %add3A_15 = arith.constant 384 : i32
    %add3A_16 = arith.addi %mul3A_14, %add3A_15 : i32
    %run_scoped3A_17 = arith.constant 0 : i32
    "tpu.region"() ({
      %run_scoped3A_204 = tpu.sem_alloc : memref<!tpu.dma_semaphore, #tpu.memory_space<semaphore_mem>>
      %dma_start3A_205 = arith.constant 0 : i32
      %dma_start3A_206 = arith.constant 0 : i32
      %dma_start3A_207 = tpu.memref_slice %arg9[%run_scoped3A_17, %dma_start3A_205, %dma_start3A_206] : memref<2x128x128xf32, #tpu.memory_space<vmem>> -> memref<1x128x128xf32, #tpu.memory_space<vmem>>
      %dma_start3A_208 = tpu.memref_squeeze %dma_start3A_207 : memref<1x128x128xf32, #tpu.memory_space<vmem>> -> memref<128x128xf32, #tpu.memory_space<vmem>>
      %dma_start3A_209 = arith.constant 0 : i32
      %dma_start3A_210 = tpu.memref_slice %arg10[%add3A_16, %dma_start3A_209] : memref<10240x128xf32, #tpu.memory_space<vmem_shared>> -> memref<128x128xf32, #tpu.memory_space<vmem_shared>>
      %dma_start3A_211 = arith.constant 0 : i32
      %dma_start3A_212 = tpu.memref_slice %arg10[%add3A_16, %dma_start3A_211] : memref<10240x128xf32, #tpu.memory_space<vmem_shared>> -> memref<128x128xf32, #tpu.memory_space<vmem_shared>>
      %dma_start3A_213 = arith.constant 0 : i32
      %dma_start3A_214 = arith.constant 0 : i32
      %dma_start3A_215 = tpu.memref_slice %arg9[%run_scoped3A_17, %dma_start3A_213, %dma_start3A_214] : memref<2x128x128xf32, #tpu.memory_space<vmem>> -> memref<1x128x128xf32, #tpu.memory_space<vmem>>
      %dma_start3A_216 = tpu.memref_squeeze %dma_start3A_215 : memref<1x128x128xf32, #tpu.memory_space<vmem>> -> memref<128x128xf32, #tpu.memory_space<vmem>>
      tpu.enqueue_dma source(%dma_start3A_216 : memref<128x128xf32, #tpu.memory_space<vmem>>) target(%dma_start3A_212 : memref<128x128xf32, #tpu.memory_space<vmem_shared>>) target_semaphore(%run_scoped3A_204 : memref<!tpu.dma_semaphore, #tpu.memory_space<semaphore_mem>>)
      %dma_wait3A_217 = arith.constant 0 : i32
      %dma_wait3A_218 = arith.constant 0 : i32
      %dma_wait3A_219 = tpu.memref_slice %arg9[%run_scoped3A_17, %dma_wait3A_217, %dma_wait3A_218] : memref<2x128x128xf32, #tpu.memory_space<vmem>> -> memref<1x128x128xf32, #tpu.memory_space<vmem>>
      %dma_wait3A_220 = tpu.memref_squeeze %dma_wait3A_219 : memref<1x128x128xf32, #tpu.memory_space<vmem>> -> memref<128x128xf32, #tpu.memory_space<vmem>>
      %dma_wait3A_221 = arith.constant 0 : i32
      %dma_wait3A_222 = tpu.memref_slice %arg10[%add3A_16, %dma_wait3A_221] : memref<10240x128xf32, #tpu.memory_space<vmem_shared>> -> memref<128x128xf32, #tpu.memory_space<vmem_shared>>
      %dma_wait3A_223 = arith.constant 0 : i32
      %dma_wait3A_224 = tpu.memref_slice %arg10[%add3A_16, %dma_wait3A_223] : memref<10240x128xf32, #tpu.memory_space<vmem_shared>> -> memref<128x128xf32, #tpu.memory_space<vmem_shared>>
      %dma_wait3A_225 = arith.constant 0 : i32
      %dma_wait3A_226 = arith.constant 0 : i32
      %dma_wait3A_227 = tpu.memref_slice %arg9[%run_scoped3A_17, %dma_wait3A_225, %dma_wait3A_226] : memref<2x128x128xf32, #tpu.memory_space<vmem>> -> memref<1x128x128xf32, #tpu.memory_space<vmem>>
      %dma_wait3A_228 = tpu.memref_squeeze %dma_wait3A_227 : memref<1x128x128xf32, #tpu.memory_space<vmem>> -> memref<128x128xf32, #tpu.memory_space<vmem>>
      tpu.wait_dma2 semaphore(%run_scoped3A_204 : memref<!tpu.dma_semaphore, #tpu.memory_space<semaphore_mem>>) src(%dma_wait3A_228 : memref<128x128xf32, #tpu.memory_space<vmem>>) dst(%dma_wait3A_224 : memref<128x128xf32, #tpu.memory_space<vmem_shared>>)
      tpu.yield
    }) : () -> ()
    %mul3A_18 = arith.constant 640 : i32
    %mul3A_19 = arith.muli %arg1, %mul3A_18 : i32
    %add3A_20 = arith.constant 512 : i32
    %add3A_21 = arith.addi %mul3A_19, %add3A_20 : i32
    %run_scoped3A_22 = arith.constant 0 : i32
    "tpu.region"() ({
      %run_scoped3A_204 = tpu.sem_alloc : memref<!tpu.dma_semaphore, #tpu.memory_space<semaphore_mem>>
      %dma_start3A_205 = arith.constant 0 : i32
      %dma_start3A_206 = arith.constant 0 : i32
      %dma_start3A_207 = tpu.memref_slice %arg9[%run_scoped3A_22, %dma_start3A_205, %dma_start3A_206] : memref<2x128x128xf32, #tpu.memory_space<vmem>> -> memref<1x128x128xf32, #tpu.memory_space<vmem>>
      %dma_start3A_208 = tpu.memref_squeeze %dma_start3A_207 : memref<1x128x128xf32, #tpu.memory_space<vmem>> -> memref<128x128xf32, #tpu.memory_space<vmem>>
      %dma_start3A_209 = arith.constant 0 : i32
      %dma_start3A_210 = tpu.memref_slice %arg10[%add3A_21, %dma_start3A_209] : memref<10240x128xf32, #tpu.memory_space<vmem_shared>> -> memref<128x128xf32, #tpu.memory_space<vmem_shared>>
      %dma_start3A_211 = arith.constant 0 : i32
      %dma_start3A_212 = tpu.memref_slice %arg10[%add3A_21, %dma_start3A_211] : memref<10240x128xf32, #tpu.memory_space<vmem_shared>> -> memref<128x128xf32, #tpu.memory_space<vmem_shared>>
      %dma_start3A_213 = arith.constant 0 : i32
      %dma_start3A_214 = arith.constant 0 : i32
      %dma_start3A_215 = tpu.memref_slice %arg9[%run_scoped3A_22, %dma_start3A_213, %dma_start3A_214] : memref<2x128x128xf32, #tpu.memory_space<vmem>> -> memref<1x128x128xf32, #tpu.memory_space<vmem>>
      %dma_start3A_216 = tpu.memref_squeeze %dma_start3A_215 : memref<1x128x128xf32, #tpu.memory_space<vmem>> -> memref<128x128xf32, #tpu.memory_space<vmem>>
      tpu.enqueue_dma source(%dma_start3A_216 : memref<128x128xf32, #tpu.memory_space<vmem>>) target(%dma_start3A_212 : memref<128x128xf32, #tpu.memory_space<vmem_shared>>) target_semaphore(%run_scoped3A_204 : memref<!tpu.dma_semaphore, #tpu.memory_space<semaphore_mem>>)
      %dma_wait3A_217 = arith.constant 0 : i32
      %dma_wait3A_218 = arith.constant 0 : i32
      %dma_wait3A_219 = tpu.memref_slice %arg9[%run_scoped3A_22, %dma_wait3A_217, %dma_wait3A_218] : memref<2x128x128xf32, #tpu.memory_space<vmem>> -> memref<1x128x128xf32, #tpu.memory_space<vmem>>
      %dma_wait3A_220 = tpu.memref_squeeze %dma_wait3A_219 : memref<1x128x128xf32, #tpu.memory_space<vmem>> -> memref<128x128xf32, #tpu.memory_space<vmem>>
      %dma_wait3A_221 = arith.constant 0 : i32
      %dma_wait3A_222 = tpu.memref_slice %arg10[%add3A_21, %dma_wait3A_221] : memref<10240x128xf32, #tpu.memory_space<vmem_shared>> -> memref<128x128xf32, #tpu.memory_space<vmem_shared>>
      %dma_wait3A_223 = arith.constant 0 : i32
      %dma_wait3A_224 = tpu.memref_slice %arg10[%add3A_21, %dma_wait3A_223] : memref<10240x128xf32, #tpu.memory_space<vmem_shared>> -> memref<128x128xf32, #tpu.memory_space<vmem_shared>>
      %dma_wait3A_225 = arith.constant 0 : i32
      %dma_wait3A_226 = arith.constant 0 : i32
      %dma_wait3A_227 = tpu.memref_slice %arg9[%run_scoped3A_22, %dma_wait3A_225, %dma_wait3A_226] : memref<2x128x128xf32, #tpu.memory_space<vmem>> -> memref<1x128x128xf32, #tpu.memory_space<vmem>>
      %dma_wait3A_228 = tpu.memref_squeeze %dma_wait3A_227 : memref<1x128x128xf32, #tpu.memory_space<vmem>> -> memref<128x128xf32, #tpu.memory_space<vmem>>
      tpu.wait_dma2 semaphore(%run_scoped3A_204 : memref<!tpu.dma_semaphore, #tpu.memory_space<semaphore_mem>>) src(%dma_wait3A_228 : memref<128x128xf32, #tpu.memory_space<vmem>>) dst(%dma_wait3A_224 : memref<128x128xf32, #tpu.memory_space<vmem_shared>>)
      tpu.yield
    }) : () -> ()
    %barrier3A = arith.constant 0 : index
    tpu.barrier barrier_id(%barrier3A)
    %eq3A = arith.constant 0 : i32
    %eq3A_23 = arith.cmpi eq, %arg0, %eq3A : i32
    %convert_element_type3A = arith.extui %eq3A_23 : i1 to i32
    %cond3A = arith.constant 0 : i32
    %cond3A_24 = arith.cmpi ne, %convert_element_type3A, %cond3A : i32
    scf.if %cond3A_24 {
      %mul3A_204 = arith.constant 72 : i32
      %mul3A_205 = arith.muli %arg1, %mul3A_204 : i32
      %add3A_206 = arith.constant 0 : i32
      %add3A_207 = arith.addi %mul3A_205, %add3A_206 : i32
      "tpu.region"() ({
        %run_scoped3A_334 = tpu.sem_alloc : memref<!tpu.dma_semaphore, #tpu.memory_space<semaphore_mem>>
        %dma_start3A_335 = arith.constant 0 : i32
        %dma_start3A_336 = arith.constant 0 : i32
        %dma_start3A_337 = tpu.memref_slice %arg7[%dma_start3A_335, %dma_start3A_336] : memref<32x128xi32, #tpu.memory_space<vmem>> -> memref<32x128xi32, #tpu.memory_space<vmem>>
        %dma_start3A_338 = arith.constant 0 : i32
        %dma_start3A_339 = tpu.memref_slice %arg3[%add3A_207, %dma_start3A_338] : memref<1280x128xi32, #tpu.memory_space<hbm>> -> memref<32x128xi32, #tpu.memory_space<hbm>>
        %dma_start3A_340 = arith.constant 0 : i32
        %dma_start3A_341 = arith.constant 0 : i32
        %dma_start3A_342 = tpu.memref_slice %arg7[%dma_start3A_340, %dma_start3A_341] : memref<32x128xi32, #tpu.memory_space<vmem>> -> memref<32x128xi32, #tpu.memory_space<vmem>>
        %dma_start3A_343 = arith.constant 0 : i32
        %dma_start3A_344 = tpu.memref_slice %arg3[%add3A_207, %dma_start3A_343] : memref<1280x128xi32, #tpu.memory_space<hbm>> -> memref<32x128xi32, #tpu.memory_space<hbm>>
        tpu.enqueue_dma source(%dma_start3A_344 : memref<32x128xi32, #tpu.memory_space<hbm>>) target(%dma_start3A_342 : memref<32x128xi32, #tpu.memory_space<vmem>>) target_semaphore(%run_scoped3A_334 : memref<!tpu.dma_semaphore, #tpu.memory_space<semaphore_mem>>)
        %dma_wait3A_345 = arith.constant 0 : i32
        %dma_wait3A_346 = arith.constant 0 : i32
        %dma_wait3A_347 = tpu.memref_slice %arg7[%dma_wait3A_345, %dma_wait3A_346] : memref<32x128xi32, #tpu.memory_space<vmem>> -> memref<32x128xi32, #tpu.memory_space<vmem>>
        %dma_wait3A_348 = arith.constant 0 : i32
        %dma_wait3A_349 = tpu.memref_slice %arg3[%add3A_207, %dma_wait3A_348] : memref<1280x128xi32, #tpu.memory_space<hbm>> -> memref<32x128xi32, #tpu.memory_space<hbm>>
        %dma_wait3A_350 = arith.constant 0 : i32
        %dma_wait3A_351 = arith.constant 0 : i32
        %dma_wait3A_352 = tpu.memref_slice %arg7[%dma_wait3A_350, %dma_wait3A_351] : memref<32x128xi32, #tpu.memory_space<vmem>> -> memref<32x128xi32, #tpu.memory_space<vmem>>
        %dma_wait3A_353 = arith.constant 0 : i32
        %dma_wait3A_354 = tpu.memref_slice %arg3[%add3A_207, %dma_wait3A_353] : memref<1280x128xi32, #tpu.memory_space<hbm>> -> memref<32x128xi32, #tpu.memory_space<hbm>>
        tpu.wait_dma2 semaphore(%run_scoped3A_334 : memref<!tpu.dma_semaphore, #tpu.memory_space<semaphore_mem>>) src(%dma_wait3A_354 : memref<32x128xi32, #tpu.memory_space<hbm>>) dst(%dma_wait3A_352 : memref<32x128xi32, #tpu.memory_space<vmem>>)
        tpu.yield
      }) : () -> ()
      "tpu.region"() ({
        %run_scoped3A_334 = tpu.sem_alloc : memref<!tpu.dma_semaphore, #tpu.memory_space<semaphore_mem>>
        %dma_start3A_335 = arith.constant 0 : i32
        %dma_start3A_336 = arith.constant 0 : i32
        %dma_start3A_337 = tpu.memref_slice %arg8[%dma_start3A_335, %dma_start3A_336] : memref<32x128xi32, #tpu.memory_space<vmem>> -> memref<32x128xi32, #tpu.memory_space<vmem>>
        %dma_start3A_338 = arith.constant 0 : i32
        %dma_start3A_339 = tpu.memref_slice %arg4[%add3A_207, %dma_start3A_338] : memref<1280x128xi32, #tpu.memory_space<hbm>> -> memref<32x128xi32, #tpu.memory_space<hbm>>
        %dma_start3A_340 = arith.constant 0 : i32
        %dma_start3A_341 = arith.constant 0 : i32
        %dma_start3A_342 = tpu.memref_slice %arg8[%dma_start3A_340, %dma_start3A_341] : memref<32x128xi32, #tpu.memory_space<vmem>> -> memref<32x128xi32, #tpu.memory_space<vmem>>
        %dma_start3A_343 = arith.constant 0 : i32
        %dma_start3A_344 = tpu.memref_slice %arg4[%add3A_207, %dma_start3A_343] : memref<1280x128xi32, #tpu.memory_space<hbm>> -> memref<32x128xi32, #tpu.memory_space<hbm>>
        tpu.enqueue_dma source(%dma_start3A_344 : memref<32x128xi32, #tpu.memory_space<hbm>>) target(%dma_start3A_342 : memref<32x128xi32, #tpu.memory_space<vmem>>) target_semaphore(%run_scoped3A_334 : memref<!tpu.dma_semaphore, #tpu.memory_space<semaphore_mem>>)
        %dma_wait3A_345 = arith.constant 0 : i32
        %dma_wait3A_346 = arith.constant 0 : i32
        %dma_wait3A_347 = tpu.memref_slice %arg8[%dma_wait3A_345, %dma_wait3A_346] : memref<32x128xi32, #tpu.memory_space<vmem>> -> memref<32x128xi32, #tpu.memory_space<vmem>>
        %dma_wait3A_348 = arith.constant 0 : i32
        %dma_wait3A_349 = tpu.memref_slice %arg4[%add3A_207, %dma_wait3A_348] : memref<1280x128xi32, #tpu.memory_space<hbm>> -> memref<32x128xi32, #tpu.memory_space<hbm>>
        %dma_wait3A_350 = arith.constant 0 : i32
        %dma_wait3A_351 = arith.constant 0 : i32
        %dma_wait3A_352 = tpu.memref_slice %arg8[%dma_wait3A_350, %dma_wait3A_351] : memref<32x128xi32, #tpu.memory_space<vmem>> -> memref<32x128xi32, #tpu.memory_space<vmem>>
        %dma_wait3A_353 = arith.constant 0 : i32
        %dma_wait3A_354 = tpu.memref_slice %arg4[%add3A_207, %dma_wait3A_353] : memref<1280x128xi32, #tpu.memory_space<hbm>> -> memref<32x128xi32, #tpu.memory_space<hbm>>
        tpu.wait_dma2 semaphore(%run_scoped3A_334 : memref<!tpu.dma_semaphore, #tpu.memory_space<semaphore_mem>>) src(%dma_wait3A_354 : memref<32x128xi32, #tpu.memory_space<hbm>>) dst(%dma_wait3A_352 : memref<32x128xi32, #tpu.memory_space<vmem>>)
        tpu.yield
      }) : () -> ()
      %dma_start3A_208 = arith.constant 0 : i32
      %dma_start3A_209 = arith.constant 0 : i32
      %dma_start3A_210 = arith.constant 0 : i32
      %dma_start3A_211 = arith.constant 0 : i32
      %dma_start3A_212 = tpu.memref_slice %arg9[%dma_start3A_209, %dma_start3A_210, %dma_start3A_211] : memref<2x128x128xf32, #tpu.memory_space<vmem>> -> memref<1x128x128xf32, #tpu.memory_space<vmem>>
      %dma_start3A_213 = tpu.memref_squeeze %dma_start3A_212 : memref<1x128x128xf32, #tpu.memory_space<vmem>> -> memref<128x128xf32, #tpu.memory_space<vmem>>
      %dma_start3A_214 = arith.constant 0 : i32
      %dma_start3A_215 = tpu.memref_slice %arg7[%dma_start3A_208, %dma_start3A_214] : memref<32x128xi32, #tpu.memory_space<vmem>> -> memref<1x128xi32, #tpu.memory_space<vmem>>
      %dma_start3A_216 = tpu.memref_squeeze %dma_start3A_215 : memref<1x128xi32, #tpu.memory_space<vmem>> -> memref<128xi32, #tpu.memory_space<vmem>>
      %dma_start3A_217 = arith.constant 0 : i32
      %dma_start3A_218 = arith.constant 0 : i32
      %dma_start3A_219 = tpu.memref_slice %arg2[%dma_start3A_217, %dma_start3A_218] : memref<10000x128xf32, #tpu.memory_space<hbm>> -> memref<10000x128xf32, #tpu.memory_space<hbm>>
      tpu.enqueue_indirect_dma source(%dma_start3A_219 : memref<10000x128xf32, #tpu.memory_space<hbm>>) target(%dma_start3A_213 : memref<128x128xf32, #tpu.memory_space<vmem>>) offsets(%dma_start3A_216 : memref<128xi32, #tpu.memory_space<vmem>>) semaphore(%arg11 : memref<!tpu.dma_semaphore, #tpu.memory_space<semaphore_mem>>)
      %dma_start3A_220 = arith.constant 1 : i32
      %dma_start3A_221 = arith.constant 1 : i32
      %dma_start3A_222 = arith.constant 0 : i32
      %dma_start3A_223 = arith.constant 0 : i32
      %dma_start3A_224 = tpu.memref_slice %arg9[%dma_start3A_221, %dma_start3A_222, %dma_start3A_223] : memref<2x128x128xf32, #tpu.memory_space<vmem>> -> memref<1x128x128xf32, #tpu.memory_space<vmem>>
      %dma_start3A_225 = tpu.memref_squeeze %dma_start3A_224 : memref<1x128x128xf32, #tpu.memory_space<vmem>> -> memref<128x128xf32, #tpu.memory_space<vmem>>
      %dma_start3A_226 = arith.constant 0 : i32
      %dma_start3A_227 = tpu.memref_slice %arg7[%dma_start3A_220, %dma_start3A_226] : memref<32x128xi32, #tpu.memory_space<vmem>> -> memref<1x128xi32, #tpu.memory_space<vmem>>
      %dma_start3A_228 = tpu.memref_squeeze %dma_start3A_227 : memref<1x128xi32, #tpu.memory_space<vmem>> -> memref<128xi32, #tpu.memory_space<vmem>>
      %dma_start3A_229 = arith.constant 0 : i32
      %dma_start3A_230 = arith.constant 0 : i32
      %dma_start3A_231 = tpu.memref_slice %arg2[%dma_start3A_229, %dma_start3A_230] : memref<10000x128xf32, #tpu.memory_space<hbm>> -> memref<10000x128xf32, #tpu.memory_space<hbm>>
      tpu.enqueue_indirect_dma source(%dma_start3A_231 : memref<10000x128xf32, #tpu.memory_space<hbm>>) target(%dma_start3A_225 : memref<128x128xf32, #tpu.memory_space<vmem>>) offsets(%dma_start3A_228 : memref<128xi32, #tpu.memory_space<vmem>>) semaphore(%arg12 : memref<!tpu.dma_semaphore, #tpu.memory_space<semaphore_mem>>)
      %scan3A = arith.constant 0 : i32
      %scan3A_232 = arith.constant 16 : i32
      %scan3A_233 = arith.addi %scan3A, %scan3A_232 : i32
      %scan3A_234 = arith.constant 1 : i32
      scf.for %scan3A_334 = %scan3A to %scan3A_233 step %scan3A_234  : i32 {
        %mul3A_335 = arith.constant 2 : i32
        %mul3A_336 = arith.muli %scan3A_334, %mul3A_335 : i32
        %add3A_337 = arith.constant 0 : i32
        %add3A_338 = arith.addi %mul3A_336, %add3A_337 : i32
        %dma_wait3A_339 = arith.constant 0 : i32
        %dma_wait3A_340 = arith.constant 0 : i32
        %dma_wait3A_341 = arith.constant 0 : i32
        %dma_wait3A_342 = tpu.memref_slice %arg9[%dma_wait3A_339, %dma_wait3A_340, %dma_wait3A_341] : memref<2x128x128xf32, #tpu.memory_space<vmem>> -> memref<1x128x128xf32, #tpu.memory_space<vmem>>
        %dma_wait3A_343 = tpu.memref_squeeze %dma_wait3A_342 : memref<1x128x128xf32, #tpu.memory_space<vmem>> -> memref<128x128xf32, #tpu.memory_space<vmem>>
        %dma_wait3A_344 = arith.constant 0 : i32
        %dma_wait3A_345 = tpu.memref_slice %arg7[%add3A_338, %dma_wait3A_344] : memref<32x128xi32, #tpu.memory_space<vmem>> -> memref<1x128xi32, #tpu.memory_space<vmem>>
        %dma_wait3A_346 = tpu.memref_squeeze %dma_wait3A_345 : memref<1x128xi32, #tpu.memory_space<vmem>> -> memref<128xi32, #tpu.memory_space<vmem>>
        %dma_wait3A_347 = arith.constant 0 : i32
        %dma_wait3A_348 = arith.constant 0 : i32
        %dma_wait3A_349 = tpu.memref_slice %arg2[%dma_wait3A_347, %dma_wait3A_348] : memref<10000x128xf32, #tpu.memory_space<hbm>> -> memref<10000x128xf32, #tpu.memory_space<hbm>>
        tpu.wait_indirect_dma semaphore(%arg11 : memref<!tpu.dma_semaphore, #tpu.memory_space<semaphore_mem>>) src(%dma_wait3A_349 : memref<10000x128xf32, #tpu.memory_space<hbm>>) dst(%dma_wait3A_343 : memref<128x128xf32, #tpu.memory_space<vmem>>)
        %dma_start3A_350 = arith.constant 0 : i32
        %dma_start3A_351 = arith.constant 0 : i32
        %dma_start3A_352 = arith.constant 0 : i32
        %dma_start3A_353 = tpu.memref_slice %arg9[%dma_start3A_350, %dma_start3A_351, %dma_start3A_352] : memref<2x128x128xf32, #tpu.memory_space<vmem>> -> memref<1x128x128xf32, #tpu.memory_space<vmem>>
        %dma_start3A_354 = tpu.memref_squeeze %dma_start3A_353 : memref<1x128x128xf32, #tpu.memory_space<vmem>> -> memref<128x128xf32, #tpu.memory_space<vmem>>
        %dma_start3A_355 = arith.constant 0 : i32
        %dma_start3A_356 = tpu.memref_slice %arg8[%add3A_338, %dma_start3A_355] : memref<32x128xi32, #tpu.memory_space<vmem>> -> memref<1x128xi32, #tpu.memory_space<vmem>>
        %dma_start3A_357 = tpu.memref_squeeze %dma_start3A_356 : memref<1x128xi32, #tpu.memory_space<vmem>> -> memref<128xi32, #tpu.memory_space<vmem>>
        %dma_start3A_358 = arith.constant 0 : i32
        %dma_start3A_359 = arith.constant 0 : i32
        %dma_start3A_360 = tpu.memref_slice %arg10[%dma_start3A_358, %dma_start3A_359] : memref<10240x128xf32, #tpu.memory_space<vmem_shared>> -> memref<10240x128xf32, #tpu.memory_space<vmem_shared>>
        tpu.enqueue_indirect_dma source(%dma_start3A_354 : memref<128x128xf32, #tpu.memory_space<vmem>>) target(%dma_start3A_360 : memref<10240x128xf32, #tpu.memory_space<vmem_shared>>) offsets(%dma_start3A_357 : memref<128xi32, #tpu.memory_space<vmem>>) semaphore(%arg13 : memref<!tpu.dma_semaphore, #tpu.memory_space<semaphore_mem>>) {add = true}
        %add3A_361 = arith.constant 2 : i32
        %add3A_362 = arith.addi %add3A_338, %add3A_361 : i32
        %sub3A = arith.constant 1 : i32
        %sub3A_363 = arith.subi %add3A_362, %sub3A : i32
        %ge3A = arith.constant 1 : i32
        %ge3A_364 = arith.cmpi sge, %add3A_338, %ge3A : i32
        %convert_element_type3A_365 = arith.extui %ge3A_364 : i1 to i32
        %cond3A_366 = arith.constant 0 : i32
        %cond3A_367 = arith.cmpi ne, %convert_element_type3A_365, %cond3A_366 : i32
        scf.if %cond3A_367 {
          %dma_wait3A_417 = arith.constant 1 : i32
          %dma_wait3A_418 = arith.constant 0 : i32
          %dma_wait3A_419 = arith.constant 0 : i32
          %dma_wait3A_420 = arith.constant 0 : i32
          %dma_wait3A_421 = tpu.memref_slice %arg9[%dma_wait3A_417, %dma_wait3A_419, %dma_wait3A_420] : memref<2x128x128xf32, #tpu.memory_space<vmem>> -> memref<1x128x128xf32, #tpu.memory_space<vmem>>
          %dma_wait3A_422 = tpu.memref_squeeze %dma_wait3A_421 : memref<1x128x128xf32, #tpu.memory_space<vmem>> -> memref<128x128xf32, #tpu.memory_space<vmem>>
          %dma_wait3A_423 = arith.constant 0 : i32
          %dma_wait3A_424 = tpu.memref_slice %arg8[%dma_wait3A_418, %dma_wait3A_423] : memref<32x128xi32, #tpu.memory_space<vmem>> -> memref<1x128xi32, #tpu.memory_space<vmem>>
          %dma_wait3A_425 = tpu.memref_squeeze %dma_wait3A_424 : memref<1x128xi32, #tpu.memory_space<vmem>> -> memref<128xi32, #tpu.memory_space<vmem>>
          %dma_wait3A_426 = arith.constant 0 : i32
          %dma_wait3A_427 = arith.constant 0 : i32
          %dma_wait3A_428 = tpu.memref_slice %arg10[%dma_wait3A_426, %dma_wait3A_427] : memref<10240x128xf32, #tpu.memory_space<vmem_shared>> -> memref<10240x128xf32, #tpu.memory_space<vmem_shared>>
          tpu.wait_indirect_dma semaphore(%arg14 : memref<!tpu.dma_semaphore, #tpu.memory_space<semaphore_mem>>) src(%dma_wait3A_422 : memref<128x128xf32, #tpu.memory_space<vmem>>) dst(%dma_wait3A_428 : memref<10240x128xf32, #tpu.memory_space<vmem_shared>>)
        } else {
        }
        %ge3A_368 = arith.constant 1 : i32
        %ge3A_369 = arith.cmpi sge, %add3A_338, %ge3A_368 : i32
        %lt3A = arith.constant 32 : i32
        %lt3A_370 = arith.cmpi slt, %sub3A_363, %lt3A : i32
        %and3A = arith.andi %ge3A_369, %lt3A_370 : i1
        %convert_element_type3A_371 = arith.extui %and3A : i1 to i32
        %cond3A_372 = arith.constant 0 : i32
        %cond3A_373 = arith.cmpi ne, %convert_element_type3A_371, %cond3A_372 : i32
        scf.if %cond3A_373 {
          %dma_start3A_417 = arith.constant 1 : i32
          %dma_start3A_418 = arith.constant 0 : i32
          %dma_start3A_419 = arith.constant 0 : i32
          %dma_start3A_420 = tpu.memref_slice %arg9[%dma_start3A_417, %dma_start3A_418, %dma_start3A_419] : memref<2x128x128xf32, #tpu.memory_space<vmem>> -> memref<1x128x128xf32, #tpu.memory_space<vmem>>
          %dma_start3A_421 = tpu.memref_squeeze %dma_start3A_420 : memref<1x128x128xf32, #tpu.memory_space<vmem>> -> memref<128x128xf32, #tpu.memory_space<vmem>>
          %dma_start3A_422 = arith.constant 0 : i32
          %dma_start3A_423 = tpu.memref_slice %arg7[%sub3A_363, %dma_start3A_422] : memref<32x128xi32, #tpu.memory_space<vmem>> -> memref<1x128xi32, #tpu.memory_space<vmem>>
          %dma_start3A_424 = tpu.memref_squeeze %dma_start3A_423 : memref<1x128xi32, #tpu.memory_space<vmem>> -> memref<128xi32, #tpu.memory_space<vmem>>
          %dma_start3A_425 = arith.constant 0 : i32
          %dma_start3A_426 = arith.constant 0 : i32
          %dma_start3A_427 = tpu.memref_slice %arg2[%dma_start3A_425, %dma_start3A_426] : memref<10000x128xf32, #tpu.memory_space<hbm>> -> memref<10000x128xf32, #tpu.memory_space<hbm>>
          tpu.enqueue_indirect_dma source(%dma_start3A_427 : memref<10000x128xf32, #tpu.memory_space<hbm>>) target(%dma_start3A_421 : memref<128x128xf32, #tpu.memory_space<vmem>>) offsets(%dma_start3A_424 : memref<128xi32, #tpu.memory_space<vmem>>) semaphore(%arg12 : memref<!tpu.dma_semaphore, #tpu.memory_space<semaphore_mem>>)
        } else {
        }
        %mul3A_374 = arith.constant 2 : i32
        %mul3A_375 = arith.muli %scan3A_334, %mul3A_374 : i32
        %add3A_376 = arith.constant 1 : i32
        %add3A_377 = arith.addi %mul3A_375, %add3A_376 : i32
        %dma_wait3A_378 = arith.constant 1 : i32
        %dma_wait3A_379 = arith.constant 0 : i32
        %dma_wait3A_380 = arith.constant 0 : i32
        %dma_wait3A_381 = tpu.memref_slice %arg9[%dma_wait3A_378, %dma_wait3A_379, %dma_wait3A_380] : memref<2x128x128xf32, #tpu.memory_space<vmem>> -> memref<1x128x128xf32, #tpu.memory_space<vmem>>
        %dma_wait3A_382 = tpu.memref_squeeze %dma_wait3A_381 : memref<1x128x128xf32, #tpu.memory_space<vmem>> -> memref<128x128xf32, #tpu.memory_space<vmem>>
        %dma_wait3A_383 = arith.constant 0 : i32
        %dma_wait3A_384 = tpu.memref_slice %arg7[%add3A_377, %dma_wait3A_383] : memref<32x128xi32, #tpu.memory_space<vmem>> -> memref<1x128xi32, #tpu.memory_space<vmem>>
        %dma_wait3A_385 = tpu.memref_squeeze %dma_wait3A_384 : memref<1x128xi32, #tpu.memory_space<vmem>> -> memref<128xi32, #tpu.memory_space<vmem>>
        %dma_wait3A_386 = arith.constant 0 : i32
        %dma_wait3A_387 = arith.constant 0 : i32
        %dma_wait3A_388 = tpu.memref_slice %arg2[%dma_wait3A_386, %dma_wait3A_387] : memref<10000x128xf32, #tpu.memory_space<hbm>> -> memref<10000x128xf32, #tpu.memory_space<hbm>>
        tpu.wait_indirect_dma semaphore(%arg12 : memref<!tpu.dma_semaphore, #tpu.memory_space<semaphore_mem>>) src(%dma_wait3A_388 : memref<10000x128xf32, #tpu.memory_space<hbm>>) dst(%dma_wait3A_382 : memref<128x128xf32, #tpu.memory_space<vmem>>)
        %dma_start3A_389 = arith.constant 1 : i32
        %dma_start3A_390 = arith.constant 0 : i32
        %dma_start3A_391 = arith.constant 0 : i32
        %dma_start3A_392 = tpu.memref_slice %arg9[%dma_start3A_389, %dma_start3A_390, %dma_start3A_391] : memref<2x128x128xf32, #tpu.memory_space<vmem>> -> memref<1x128x128xf32, #tpu.memory_space<vmem>>
        %dma_start3A_393 = tpu.memref_squeeze %dma_start3A_392 : memref<1x128x128xf32, #tpu.memory_space<vmem>> -> memref<128x128xf32, #tpu.memory_space<vmem>>
        %dma_start3A_394 = arith.constant 0 : i32
        %dma_start3A_395 = tpu.memref_slice %arg8[%add3A_377, %dma_start3A_394] : memref<32x128xi32, #tpu.memory_space<vmem>> -> memref<1x128xi32, #tpu.memory_space<vmem>>
        %dma_start3A_396 = tpu.memref_squeeze %dma_start3A_395 : memref<1x128xi32, #tpu.memory_space<vmem>> -> memref<128xi32, #tpu.memory_space<vmem>>
        %dma_start3A_397 = arith.constant 0 : i32
        %dma_start3A_398 = arith.constant 0 : i32
        %dma_start3A_399 = tpu.memref_slice %arg10[%dma_start3A_397, %dma_start3A_398] : memref<10240x128xf32, #tpu.memory_space<vmem_shared>> -> memref<10240x128xf32, #tpu.memory_space<vmem_shared>>
        tpu.enqueue_indirect_dma source(%dma_start3A_393 : memref<128x128xf32, #tpu.memory_space<vmem>>) target(%dma_start3A_399 : memref<10240x128xf32, #tpu.memory_space<vmem_shared>>) offsets(%dma_start3A_396 : memref<128xi32, #tpu.memory_space<vmem>>) semaphore(%arg14 : memref<!tpu.dma_semaphore, #tpu.memory_space<semaphore_mem>>) {add = true}
        %add3A_400 = arith.constant 2 : i32
        %add3A_401 = arith.addi %add3A_377, %add3A_400 : i32
        %sub3A_402 = arith.constant 1 : i32
        %sub3A_403 = arith.subi %add3A_401, %sub3A_402 : i32
        %ge3A_404 = arith.constant 1 : i32
        %ge3A_405 = arith.cmpi sge, %add3A_377, %ge3A_404 : i32
        %convert_element_type3A_406 = arith.extui %ge3A_405 : i1 to i32
        %cond3A_407 = arith.constant 0 : i32
        %cond3A_408 = arith.cmpi ne, %convert_element_type3A_406, %cond3A_407 : i32
        scf.if %cond3A_408 {
          %dma_wait3A_417 = arith.constant 0 : i32
          %dma_wait3A_418 = arith.constant 0 : i32
          %dma_wait3A_419 = arith.constant 0 : i32
          %dma_wait3A_420 = arith.constant 0 : i32
          %dma_wait3A_421 = tpu.memref_slice %arg9[%dma_wait3A_417, %dma_wait3A_419, %dma_wait3A_420] : memref<2x128x128xf32, #tpu.memory_space<vmem>> -> memref<1x128x128xf32, #tpu.memory_space<vmem>>
          %dma_wait3A_422 = tpu.memref_squeeze %dma_wait3A_421 : memref<1x128x128xf32, #tpu.memory_space<vmem>> -> memref<128x128xf32, #tpu.memory_space<vmem>>
          %dma_wait3A_423 = arith.constant 0 : i32
          %dma_wait3A_424 = tpu.memref_slice %arg8[%dma_wait3A_418, %dma_wait3A_423] : memref<32x128xi32, #tpu.memory_space<vmem>> -> memref<1x128xi32, #tpu.memory_space<vmem>>
          %dma_wait3A_425 = tpu.memref_squeeze %dma_wait3A_424 : memref<1x128xi32, #tpu.memory_space<vmem>> -> memref<128xi32, #tpu.memory_space<vmem>>
          %dma_wait3A_426 = arith.constant 0 : i32
          %dma_wait3A_427 = arith.constant 0 : i32
          %dma_wait3A_428 = tpu.memref_slice %arg10[%dma_wait3A_426, %dma_wait3A_427] : memref<10240x128xf32, #tpu.memory_space<vmem_shared>> -> memref<10240x128xf32, #tpu.memory_space<vmem_shared>>
          tpu.wait_indirect_dma semaphore(%arg13 : memref<!tpu.dma_semaphore, #tpu.memory_space<semaphore_mem>>) src(%dma_wait3A_422 : memref<128x128xf32, #tpu.memory_space<vmem>>) dst(%dma_wait3A_428 : memref<10240x128xf32, #tpu.memory_space<vmem_shared>>)
        } else {
        }
        %ge3A_409 = arith.constant 1 : i32
        %ge3A_410 = arith.cmpi sge, %add3A_377, %ge3A_409 : i32
        %lt3A_411 = arith.constant 32 : i32
        %lt3A_412 = arith.cmpi slt, %sub3A_403, %lt3A_411 : i32
        %and3A_413 = arith.andi %ge3A_410, %lt3A_412 : i1
        %convert_element_type3A_414 = arith.extui %and3A_413 : i1 to i32
        %cond3A_415 = arith.constant 0 : i32
        %cond3A_416 = arith.cmpi ne, %convert_element_type3A_414, %cond3A_415 : i32
        scf.if %cond3A_416 {
          %dma_start3A_417 = arith.constant 0 : i32
          %dma_start3A_418 = arith.constant 0 : i32
          %dma_start3A_419 = arith.constant 0 : i32
          %dma_start3A_420 = tpu.memref_slice %arg9[%dma_start3A_417, %dma_start3A_418, %dma_start3A_419] : memref<2x128x128xf32, #tpu.memory_space<vmem>> -> memref<1x128x128xf32, #tpu.memory_space<vmem>>
          %dma_start3A_421 = tpu.memref_squeeze %dma_start3A_420 : memref<1x128x128xf32, #tpu.memory_space<vmem>> -> memref<128x128xf32, #tpu.memory_space<vmem>>
          %dma_start3A_422 = arith.constant 0 : i32
          %dma_start3A_423 = tpu.memref_slice %arg7[%sub3A_403, %dma_start3A_422] : memref<32x128xi32, #tpu.memory_space<vmem>> -> memref<1x128xi32, #tpu.memory_space<vmem>>
          %dma_start3A_424 = tpu.memref_squeeze %dma_start3A_423 : memref<1x128xi32, #tpu.memory_space<vmem>> -> memref<128xi32, #tpu.memory_space<vmem>>
          %dma_start3A_425 = arith.constant 0 : i32
          %dma_start3A_426 = arith.constant 0 : i32
          %dma_start3A_427 = tpu.memref_slice %arg2[%dma_start3A_425, %dma_start3A_426] : memref<10000x128xf32, #tpu.memory_space<hbm>> -> memref<10000x128xf32, #tpu.memory_space<hbm>>
          tpu.enqueue_indirect_dma source(%dma_start3A_427 : memref<10000x128xf32, #tpu.memory_space<hbm>>) target(%dma_start3A_421 : memref<128x128xf32, #tpu.memory_space<vmem>>) offsets(%dma_start3A_424 : memref<128xi32, #tpu.memory_space<vmem>>) semaphore(%arg11 : memref<!tpu.dma_semaphore, #tpu.memory_space<semaphore_mem>>)
        } else {
        }
      }
      %scan3A_235 = arith.constant 16 : i32
      %dma_wait3A_236 = arith.constant 1 : i32
      %dma_wait3A_237 = arith.constant 0 : i32
      %dma_wait3A_238 = arith.constant 0 : i32
      %dma_wait3A_239 = arith.constant 0 : i32
      %dma_wait3A_240 = tpu.memref_slice %arg9[%dma_wait3A_236, %dma_wait3A_238, %dma_wait3A_239] : memref<2x128x128xf32, #tpu.memory_space<vmem>> -> memref<1x128x128xf32, #tpu.memory_space<vmem>>
      %dma_wait3A_241 = tpu.memref_squeeze %dma_wait3A_240 : memref<1x128x128xf32, #tpu.memory_space<vmem>> -> memref<128x128xf32, #tpu.memory_space<vmem>>
      %dma_wait3A_242 = arith.constant 0 : i32
      %dma_wait3A_243 = tpu.memref_slice %arg8[%dma_wait3A_237, %dma_wait3A_242] : memref<32x128xi32, #tpu.memory_space<vmem>> -> memref<1x128xi32, #tpu.memory_space<vmem>>
      %dma_wait3A_244 = tpu.memref_squeeze %dma_wait3A_243 : memref<1x128xi32, #tpu.memory_space<vmem>> -> memref<128xi32, #tpu.memory_space<vmem>>
      %dma_wait3A_245 = arith.constant 0 : i32
      %dma_wait3A_246 = arith.constant 0 : i32
      %dma_wait3A_247 = tpu.memref_slice %arg10[%dma_wait3A_245, %dma_wait3A_246] : memref<10240x128xf32, #tpu.memory_space<vmem_shared>> -> memref<10240x128xf32, #tpu.memory_space<vmem_shared>>
      tpu.wait_indirect_dma semaphore(%arg14 : memref<!tpu.dma_semaphore, #tpu.memory_space<semaphore_mem>>) src(%dma_wait3A_241 : memref<128x128xf32, #tpu.memory_space<vmem>>) dst(%dma_wait3A_247 : memref<10240x128xf32, #tpu.memory_space<vmem_shared>>)
      %add3A_248 = arith.constant 32 : i32
      %add3A_249 = arith.addi %mul3A_205, %add3A_248 : i32
      "tpu.region"() ({
        %run_scoped3A_334 = tpu.sem_alloc : memref<!tpu.dma_semaphore, #tpu.memory_space<semaphore_mem>>
        %dma_start3A_335 = arith.constant 0 : i32
        %dma_start3A_336 = arith.constant 0 : i32
        %dma_start3A_337 = tpu.memref_slice %arg7[%dma_start3A_335, %dma_start3A_336] : memref<32x128xi32, #tpu.memory_space<vmem>> -> memref<32x128xi32, #tpu.memory_space<vmem>>
        %dma_start3A_338 = arith.constant 0 : i32
        %dma_start3A_339 = tpu.memref_slice %arg3[%add3A_249, %dma_start3A_338] : memref<1280x128xi32, #tpu.memory_space<hbm>> -> memref<32x128xi32, #tpu.memory_space<hbm>>
        %dma_start3A_340 = arith.constant 0 : i32
        %dma_start3A_341 = arith.constant 0 : i32
        %dma_start3A_342 = tpu.memref_slice %arg7[%dma_start3A_340, %dma_start3A_341] : memref<32x128xi32, #tpu.memory_space<vmem>> -> memref<32x128xi32, #tpu.memory_space<vmem>>
        %dma_start3A_343 = arith.constant 0 : i32
        %dma_start3A_344 = tpu.memref_slice %arg3[%add3A_249, %dma_start3A_343] : memref<1280x128xi32, #tpu.memory_space<hbm>> -> memref<32x128xi32, #tpu.memory_space<hbm>>
        tpu.enqueue_dma source(%dma_start3A_344 : memref<32x128xi32, #tpu.memory_space<hbm>>) target(%dma_start3A_342 : memref<32x128xi32, #tpu.memory_space<vmem>>) target_semaphore(%run_scoped3A_334 : memref<!tpu.dma_semaphore, #tpu.memory_space<semaphore_mem>>)
        %dma_wait3A_345 = arith.constant 0 : i32
        %dma_wait3A_346 = arith.constant 0 : i32
        %dma_wait3A_347 = tpu.memref_slice %arg7[%dma_wait3A_345, %dma_wait3A_346] : memref<32x128xi32, #tpu.memory_space<vmem>> -> memref<32x128xi32, #tpu.memory_space<vmem>>
        %dma_wait3A_348 = arith.constant 0 : i32
        %dma_wait3A_349 = tpu.memref_slice %arg3[%add3A_249, %dma_wait3A_348] : memref<1280x128xi32, #tpu.memory_space<hbm>> -> memref<32x128xi32, #tpu.memory_space<hbm>>
        %dma_wait3A_350 = arith.constant 0 : i32
        %dma_wait3A_351 = arith.constant 0 : i32
        %dma_wait3A_352 = tpu.memref_slice %arg7[%dma_wait3A_350, %dma_wait3A_351] : memref<32x128xi32, #tpu.memory_space<vmem>> -> memref<32x128xi32, #tpu.memory_space<vmem>>
        %dma_wait3A_353 = arith.constant 0 : i32
        %dma_wait3A_354 = tpu.memref_slice %arg3[%add3A_249, %dma_wait3A_353] : memref<1280x128xi32, #tpu.memory_space<hbm>> -> memref<32x128xi32, #tpu.memory_space<hbm>>
        tpu.wait_dma2 semaphore(%run_scoped3A_334 : memref<!tpu.dma_semaphore, #tpu.memory_space<semaphore_mem>>) src(%dma_wait3A_354 : memref<32x128xi32, #tpu.memory_space<hbm>>) dst(%dma_wait3A_352 : memref<32x128xi32, #tpu.memory_space<vmem>>)
        tpu.yield
      }) : () -> ()
      "tpu.region"() ({
        %run_scoped3A_334 = tpu.sem_alloc : memref<!tpu.dma_semaphore, #tpu.memory_space<semaphore_mem>>
        %dma_start3A_335 = arith.constant 0 : i32
        %dma_start3A_336 = arith.constant 0 : i32
        %dma_start3A_337 = tpu.memref_slice %arg8[%dma_start3A_335, %dma_start3A_336] : memref<32x128xi32, #tpu.memory_space<vmem>> -> memref<32x128xi32, #tpu.memory_space<vmem>>
        %dma_start3A_338 = arith.constant 0 : i32
        %dma_start3A_339 = tpu.memref_slice %arg4[%add3A_249, %dma_start3A_338] : memref<1280x128xi32, #tpu.memory_space<hbm>> -> memref<32x128xi32, #tpu.memory_space<hbm>>
        %dma_start3A_340 = arith.constant 0 : i32
        %dma_start3A_341 = arith.constant 0 : i32
        %dma_start3A_342 = tpu.memref_slice %arg8[%dma_start3A_340, %dma_start3A_341] : memref<32x128xi32, #tpu.memory_space<vmem>> -> memref<32x128xi32, #tpu.memory_space<vmem>>
        %dma_start3A_343 = arith.constant 0 : i32
        %dma_start3A_344 = tpu.memref_slice %arg4[%add3A_249, %dma_start3A_343] : memref<1280x128xi32, #tpu.memory_space<hbm>> -> memref<32x128xi32, #tpu.memory_space<hbm>>
        tpu.enqueue_dma source(%dma_start3A_344 : memref<32x128xi32, #tpu.memory_space<hbm>>) target(%dma_start3A_342 : memref<32x128xi32, #tpu.memory_space<vmem>>) target_semaphore(%run_scoped3A_334 : memref<!tpu.dma_semaphore, #tpu.memory_space<semaphore_mem>>)
        %dma_wait3A_345 = arith.constant 0 : i32
        %dma_wait3A_346 = arith.constant 0 : i32
        %dma_wait3A_347 = tpu.memref_slice %arg8[%dma_wait3A_345, %dma_wait3A_346] : memref<32x128xi32, #tpu.memory_space<vmem>> -> memref<32x128xi32, #tpu.memory_space<vmem>>
        %dma_wait3A_348 = arith.constant 0 : i32
        %dma_wait3A_349 = tpu.memref_slice %arg4[%add3A_249, %dma_wait3A_348] : memref<1280x128xi32, #tpu.memory_space<hbm>> -> memref<32x128xi32, #tpu.memory_space<hbm>>
        %dma_wait3A_350 = arith.constant 0 : i32
        %dma_wait3A_351 = arith.constant 0 : i32
        %dma_wait3A_352 = tpu.memref_slice %arg8[%dma_wait3A_350, %dma_wait3A_351] : memref<32x128xi32, #tpu.memory_space<vmem>> -> memref<32x128xi32, #tpu.memory_space<vmem>>
        %dma_wait3A_353 = arith.constant 0 : i32
        %dma_wait3A_354 = tpu.memref_slice %arg4[%add3A_249, %dma_wait3A_353] : memref<1280x128xi32, #tpu.memory_space<hbm>> -> memref<32x128xi32, #tpu.memory_space<hbm>>
        tpu.wait_dma2 semaphore(%run_scoped3A_334 : memref<!tpu.dma_semaphore, #tpu.memory_space<semaphore_mem>>) src(%dma_wait3A_354 : memref<32x128xi32, #tpu.memory_space<hbm>>) dst(%dma_wait3A_352 : memref<32x128xi32, #tpu.memory_space<vmem>>)
        tpu.yield
      }) : () -> ()
      %dma_start3A_250 = arith.constant 0 : i32
      %dma_start3A_251 = arith.constant 0 : i32
      %dma_start3A_252 = arith.constant 0 : i32
      %dma_start3A_253 = arith.constant 0 : i32
      %dma_start3A_254 = tpu.memref_slice %arg9[%dma_start3A_251, %dma_start3A_252, %dma_start3A_253] : memref<2x128x128xf32, #tpu.memory_space<vmem>> -> memref<1x128x128xf32, #tpu.memory_space<vmem>>
      %dma_start3A_255 = tpu.memref_squeeze %dma_start3A_254 : memref<1x128x128xf32, #tpu.memory_space<vmem>> -> memref<128x128xf32, #tpu.memory_space<vmem>>
      %dma_start3A_256 = arith.constant 0 : i32
      %dma_start3A_257 = tpu.memref_slice %arg7[%dma_start3A_250, %dma_start3A_256] : memref<32x128xi32, #tpu.memory_space<vmem>> -> memref<1x128xi32, #tpu.memory_space<vmem>>
      %dma_start3A_258 = tpu.memref_squeeze %dma_start3A_257 : memref<1x128xi32, #tpu.memory_space<vmem>> -> memref<128xi32, #tpu.memory_space<vmem>>
      %dma_start3A_259 = arith.constant 0 : i32
      %dma_start3A_260 = arith.constant 0 : i32
      %dma_start3A_261 = tpu.memref_slice %arg2[%dma_start3A_259, %dma_start3A_260] : memref<10000x128xf32, #tpu.memory_space<hbm>> -> memref<10000x128xf32, #tpu.memory_space<hbm>>
      tpu.enqueue_indirect_dma source(%dma_start3A_261 : memref<10000x128xf32, #tpu.memory_space<hbm>>) target(%dma_start3A_255 : memref<128x128xf32, #tpu.memory_space<vmem>>) offsets(%dma_start3A_258 : memref<128xi32, #tpu.memory_space<vmem>>) semaphore(%arg11 : memref<!tpu.dma_semaphore, #tpu.memory_space<semaphore_mem>>)
      %dma_start3A_262 = arith.constant 1 : i32
      %dma_start3A_263 = arith.constant 1 : i32
      %dma_start3A_264 = arith.constant 0 : i32
      %dma_start3A_265 = arith.constant 0 : i32
      %dma_start3A_266 = tpu.memref_slice %arg9[%dma_start3A_263, %dma_start3A_264, %dma_start3A_265] : memref<2x128x128xf32, #tpu.memory_space<vmem>> -> memref<1x128x128xf32, #tpu.memory_space<vmem>>
      %dma_start3A_267 = tpu.memref_squeeze %dma_start3A_266 : memref<1x128x128xf32, #tpu.memory_space<vmem>> -> memref<128x128xf32, #tpu.memory_space<vmem>>
      %dma_start3A_268 = arith.constant 0 : i32
      %dma_start3A_269 = tpu.memref_slice %arg7[%dma_start3A_262, %dma_start3A_268] : memref<32x128xi32, #tpu.memory_space<vmem>> -> memref<1x128xi32, #tpu.memory_space<vmem>>
      %dma_start3A_270 = tpu.memref_squeeze %dma_start3A_269 : memref<1x128xi32, #tpu.memory_space<vmem>> -> memref<128xi32, #tpu.memory_space<vmem>>
      %dma_start3A_271 = arith.constant 0 : i32
      %dma_start3A_272 = arith.constant 0 : i32
      %dma_start3A_273 = tpu.memref_slice %arg2[%dma_start3A_271, %dma_start3A_272] : memref<10000x128xf32, #tpu.memory_space<hbm>> -> memref<10000x128xf32, #tpu.memory_space<hbm>>
      tpu.enqueue_indirect_dma source(%dma_start3A_273 : memref<10000x128xf32, #tpu.memory_space<hbm>>) target(%dma_start3A_267 : memref<128x128xf32, #tpu.memory_space<vmem>>) offsets(%dma_start3A_270 : memref<128xi32, #tpu.memory_space<vmem>>) semaphore(%arg12 : memref<!tpu.dma_semaphore, #tpu.memory_space<semaphore_mem>>)
      %scan3A_274 = arith.constant 0 : i32
      %scan3A_275 = arith.constant 16 : i32
      %scan3A_276 = arith.addi %scan3A_274, %scan3A_275 : i32
      %scan3A_277 = arith.constant 1 : i32
      scf.for %scan3A_334 = %scan3A_274 to %scan3A_276 step %scan3A_277  : i32 {
        %mul3A_335 = arith.constant 2 : i32
        %mul3A_336 = arith.muli %scan3A_334, %mul3A_335 : i32
        %add3A_337 = arith.constant 0 : i32
        %add3A_338 = arith.addi %mul3A_336, %add3A_337 : i32
        %dma_wait3A_339 = arith.constant 0 : i32
        %dma_wait3A_340 = arith.constant 0 : i32
        %dma_wait3A_341 = arith.constant 0 : i32
        %dma_wait3A_342 = tpu.memref_slice %arg9[%dma_wait3A_339, %dma_wait3A_340, %dma_wait3A_341] : memref<2x128x128xf32, #tpu.memory_space<vmem>> -> memref<1x128x128xf32, #tpu.memory_space<vmem>>
        %dma_wait3A_343 = tpu.memref_squeeze %dma_wait3A_342 : memref<1x128x128xf32, #tpu.memory_space<vmem>> -> memref<128x128xf32, #tpu.memory_space<vmem>>
        %dma_wait3A_344 = arith.constant 0 : i32
        %dma_wait3A_345 = tpu.memref_slice %arg7[%add3A_338, %dma_wait3A_344] : memref<32x128xi32, #tpu.memory_space<vmem>> -> memref<1x128xi32, #tpu.memory_space<vmem>>
        %dma_wait3A_346 = tpu.memref_squeeze %dma_wait3A_345 : memref<1x128xi32, #tpu.memory_space<vmem>> -> memref<128xi32, #tpu.memory_space<vmem>>
        %dma_wait3A_347 = arith.constant 0 : i32
        %dma_wait3A_348 = arith.constant 0 : i32
        %dma_wait3A_349 = tpu.memref_slice %arg2[%dma_wait3A_347, %dma_wait3A_348] : memref<10000x128xf32, #tpu.memory_space<hbm>> -> memref<10000x128xf32, #tpu.memory_space<hbm>>
        tpu.wait_indirect_dma semaphore(%arg11 : memref<!tpu.dma_semaphore, #tpu.memory_space<semaphore_mem>>) src(%dma_wait3A_349 : memref<10000x128xf32, #tpu.memory_space<hbm>>) dst(%dma_wait3A_343 : memref<128x128xf32, #tpu.memory_space<vmem>>)
        %dma_start3A_350 = arith.constant 0 : i32
        %dma_start3A_351 = arith.constant 0 : i32
        %dma_start3A_352 = arith.constant 0 : i32
        %dma_start3A_353 = tpu.memref_slice %arg9[%dma_start3A_350, %dma_start3A_351, %dma_start3A_352] : memref<2x128x128xf32, #tpu.memory_space<vmem>> -> memref<1x128x128xf32, #tpu.memory_space<vmem>>
        %dma_start3A_354 = tpu.memref_squeeze %dma_start3A_353 : memref<1x128x128xf32, #tpu.memory_space<vmem>> -> memref<128x128xf32, #tpu.memory_space<vmem>>
        %dma_start3A_355 = arith.constant 0 : i32
        %dma_start3A_356 = tpu.memref_slice %arg8[%add3A_338, %dma_start3A_355] : memref<32x128xi32, #tpu.memory_space<vmem>> -> memref<1x128xi32, #tpu.memory_space<vmem>>
        %dma_start3A_357 = tpu.memref_squeeze %dma_start3A_356 : memref<1x128xi32, #tpu.memory_space<vmem>> -> memref<128xi32, #tpu.memory_space<vmem>>
        %dma_start3A_358 = arith.constant 0 : i32
        %dma_start3A_359 = arith.constant 0 : i32
        %dma_start3A_360 = tpu.memref_slice %arg10[%dma_start3A_358, %dma_start3A_359] : memref<10240x128xf32, #tpu.memory_space<vmem_shared>> -> memref<10240x128xf32, #tpu.memory_space<vmem_shared>>
        tpu.enqueue_indirect_dma source(%dma_start3A_354 : memref<128x128xf32, #tpu.memory_space<vmem>>) target(%dma_start3A_360 : memref<10240x128xf32, #tpu.memory_space<vmem_shared>>) offsets(%dma_start3A_357 : memref<128xi32, #tpu.memory_space<vmem>>) semaphore(%arg13 : memref<!tpu.dma_semaphore, #tpu.memory_space<semaphore_mem>>) {add = true}
        %add3A_361 = arith.constant 2 : i32
        %add3A_362 = arith.addi %add3A_338, %add3A_361 : i32
        %sub3A = arith.constant 1 : i32
        %sub3A_363 = arith.subi %add3A_362, %sub3A : i32
        %ge3A = arith.constant 1 : i32
        %ge3A_364 = arith.cmpi sge, %add3A_338, %ge3A : i32
        %convert_element_type3A_365 = arith.extui %ge3A_364 : i1 to i32
        %cond3A_366 = arith.constant 0 : i32
        %cond3A_367 = arith.cmpi ne, %convert_element_type3A_365, %cond3A_366 : i32
        scf.if %cond3A_367 {
          %dma_wait3A_417 = arith.constant 1 : i32
          %dma_wait3A_418 = arith.constant 0 : i32
          %dma_wait3A_419 = arith.constant 0 : i32
          %dma_wait3A_420 = arith.constant 0 : i32
          %dma_wait3A_421 = tpu.memref_slice %arg9[%dma_wait3A_417, %dma_wait3A_419, %dma_wait3A_420] : memref<2x128x128xf32, #tpu.memory_space<vmem>> -> memref<1x128x128xf32, #tpu.memory_space<vmem>>
          %dma_wait3A_422 = tpu.memref_squeeze %dma_wait3A_421 : memref<1x128x128xf32, #tpu.memory_space<vmem>> -> memref<128x128xf32, #tpu.memory_space<vmem>>
          %dma_wait3A_423 = arith.constant 0 : i32
          %dma_wait3A_424 = tpu.memref_slice %arg8[%dma_wait3A_418, %dma_wait3A_423] : memref<32x128xi32, #tpu.memory_space<vmem>> -> memref<1x128xi32, #tpu.memory_space<vmem>>
          %dma_wait3A_425 = tpu.memref_squeeze %dma_wait3A_424 : memref<1x128xi32, #tpu.memory_space<vmem>> -> memref<128xi32, #tpu.memory_space<vmem>>
          %dma_wait3A_426 = arith.constant 0 : i32
          %dma_wait3A_427 = arith.constant 0 : i32
          %dma_wait3A_428 = tpu.memref_slice %arg10[%dma_wait3A_426, %dma_wait3A_427] : memref<10240x128xf32, #tpu.memory_space<vmem_shared>> -> memref<10240x128xf32, #tpu.memory_space<vmem_shared>>
          tpu.wait_indirect_dma semaphore(%arg14 : memref<!tpu.dma_semaphore, #tpu.memory_space<semaphore_mem>>) src(%dma_wait3A_422 : memref<128x128xf32, #tpu.memory_space<vmem>>) dst(%dma_wait3A_428 : memref<10240x128xf32, #tpu.memory_space<vmem_shared>>)
        } else {
        }
        %ge3A_368 = arith.constant 1 : i32
        %ge3A_369 = arith.cmpi sge, %add3A_338, %ge3A_368 : i32
        %lt3A = arith.constant 32 : i32
        %lt3A_370 = arith.cmpi slt, %sub3A_363, %lt3A : i32
        %and3A = arith.andi %ge3A_369, %lt3A_370 : i1
        %convert_element_type3A_371 = arith.extui %and3A : i1 to i32
        %cond3A_372 = arith.constant 0 : i32
        %cond3A_373 = arith.cmpi ne, %convert_element_type3A_371, %cond3A_372 : i32
        scf.if %cond3A_373 {
          %dma_start3A_417 = arith.constant 1 : i32
          %dma_start3A_418 = arith.constant 0 : i32
          %dma_start3A_419 = arith.constant 0 : i32
          %dma_start3A_420 = tpu.memref_slice %arg9[%dma_start3A_417, %dma_start3A_418, %dma_start3A_419] : memref<2x128x128xf32, #tpu.memory_space<vmem>> -> memref<1x128x128xf32, #tpu.memory_space<vmem>>
          %dma_start3A_421 = tpu.memref_squeeze %dma_start3A_420 : memref<1x128x128xf32, #tpu.memory_space<vmem>> -> memref<128x128xf32, #tpu.memory_space<vmem>>
          %dma_start3A_422 = arith.constant 0 : i32
          %dma_start3A_423 = tpu.memref_slice %arg7[%sub3A_363, %dma_start3A_422] : memref<32x128xi32, #tpu.memory_space<vmem>> -> memref<1x128xi32, #tpu.memory_space<vmem>>
          %dma_start3A_424 = tpu.memref_squeeze %dma_start3A_423 : memref<1x128xi32, #tpu.memory_space<vmem>> -> memref<128xi32, #tpu.memory_space<vmem>>
          %dma_start3A_425 = arith.constant 0 : i32
          %dma_start3A_426 = arith.constant 0 : i32
          %dma_start3A_427 = tpu.memref_slice %arg2[%dma_start3A_425, %dma_start3A_426] : memref<10000x128xf32, #tpu.memory_space<hbm>> -> memref<10000x128xf32, #tpu.memory_space<hbm>>
          tpu.enqueue_indirect_dma source(%dma_start3A_427 : memref<10000x128xf32, #tpu.memory_space<hbm>>) target(%dma_start3A_421 : memref<128x128xf32, #tpu.memory_space<vmem>>) offsets(%dma_start3A_424 : memref<128xi32, #tpu.memory_space<vmem>>) semaphore(%arg12 : memref<!tpu.dma_semaphore, #tpu.memory_space<semaphore_mem>>)
        } else {
        }
        %mul3A_374 = arith.constant 2 : i32
        %mul3A_375 = arith.muli %scan3A_334, %mul3A_374 : i32
        %add3A_376 = arith.constant 1 : i32
        %add3A_377 = arith.addi %mul3A_375, %add3A_376 : i32
        %dma_wait3A_378 = arith.constant 1 : i32
        %dma_wait3A_379 = arith.constant 0 : i32
        %dma_wait3A_380 = arith.constant 0 : i32
        %dma_wait3A_381 = tpu.memref_slice %arg9[%dma_wait3A_378, %dma_wait3A_379, %dma_wait3A_380] : memref<2x128x128xf32, #tpu.memory_space<vmem>> -> memref<1x128x128xf32, #tpu.memory_space<vmem>>
        %dma_wait3A_382 = tpu.memref_squeeze %dma_wait3A_381 : memref<1x128x128xf32, #tpu.memory_space<vmem>> -> memref<128x128xf32, #tpu.memory_space<vmem>>
        %dma_wait3A_383 = arith.constant 0 : i32
        %dma_wait3A_384 = tpu.memref_slice %arg7[%add3A_377, %dma_wait3A_383] : memref<32x128xi32, #tpu.memory_space<vmem>> -> memref<1x128xi32, #tpu.memory_space<vmem>>
        %dma_wait3A_385 = tpu.memref_squeeze %dma_wait3A_384 : memref<1x128xi32, #tpu.memory_space<vmem>> -> memref<128xi32, #tpu.memory_space<vmem>>
        %dma_wait3A_386 = arith.constant 0 : i32
        %dma_wait3A_387 = arith.constant 0 : i32
        %dma_wait3A_388 = tpu.memref_slice %arg2[%dma_wait3A_386, %dma_wait3A_387] : memref<10000x128xf32, #tpu.memory_space<hbm>> -> memref<10000x128xf32, #tpu.memory_space<hbm>>
        tpu.wait_indirect_dma semaphore(%arg12 : memref<!tpu.dma_semaphore, #tpu.memory_space<semaphore_mem>>) src(%dma_wait3A_388 : memref<10000x128xf32, #tpu.memory_space<hbm>>) dst(%dma_wait3A_382 : memref<128x128xf32, #tpu.memory_space<vmem>>)
        %dma_start3A_389 = arith.constant 1 : i32
        %dma_start3A_390 = arith.constant 0 : i32
        %dma_start3A_391 = arith.constant 0 : i32
        %dma_start3A_392 = tpu.memref_slice %arg9[%dma_start3A_389, %dma_start3A_390, %dma_start3A_391] : memref<2x128x128xf32, #tpu.memory_space<vmem>> -> memref<1x128x128xf32, #tpu.memory_space<vmem>>
        %dma_start3A_393 = tpu.memref_squeeze %dma_start3A_392 : memref<1x128x128xf32, #tpu.memory_space<vmem>> -> memref<128x128xf32, #tpu.memory_space<vmem>>
        %dma_start3A_394 = arith.constant 0 : i32
        %dma_start3A_395 = tpu.memref_slice %arg8[%add3A_377, %dma_start3A_394] : memref<32x128xi32, #tpu.memory_space<vmem>> -> memref<1x128xi32, #tpu.memory_space<vmem>>
        %dma_start3A_396 = tpu.memref_squeeze %dma_start3A_395 : memref<1x128xi32, #tpu.memory_space<vmem>> -> memref<128xi32, #tpu.memory_space<vmem>>
        %dma_start3A_397 = arith.constant 0 : i32
        %dma_start3A_398 = arith.constant 0 : i32
        %dma_start3A_399 = tpu.memref_slice %arg10[%dma_start3A_397, %dma_start3A_398] : memref<10240x128xf32, #tpu.memory_space<vmem_shared>> -> memref<10240x128xf32, #tpu.memory_space<vmem_shared>>
        tpu.enqueue_indirect_dma source(%dma_start3A_393 : memref<128x128xf32, #tpu.memory_space<vmem>>) target(%dma_start3A_399 : memref<10240x128xf32, #tpu.memory_space<vmem_shared>>) offsets(%dma_start3A_396 : memref<128xi32, #tpu.memory_space<vmem>>) semaphore(%arg14 : memref<!tpu.dma_semaphore, #tpu.memory_space<semaphore_mem>>) {add = true}
        %add3A_400 = arith.constant 2 : i32
        %add3A_401 = arith.addi %add3A_377, %add3A_400 : i32
        %sub3A_402 = arith.constant 1 : i32
        %sub3A_403 = arith.subi %add3A_401, %sub3A_402 : i32
        %ge3A_404 = arith.constant 1 : i32
        %ge3A_405 = arith.cmpi sge, %add3A_377, %ge3A_404 : i32
        %convert_element_type3A_406 = arith.extui %ge3A_405 : i1 to i32
        %cond3A_407 = arith.constant 0 : i32
        %cond3A_408 = arith.cmpi ne, %convert_element_type3A_406, %cond3A_407 : i32
        scf.if %cond3A_408 {
          %dma_wait3A_417 = arith.constant 0 : i32
          %dma_wait3A_418 = arith.constant 0 : i32
          %dma_wait3A_419 = arith.constant 0 : i32
          %dma_wait3A_420 = arith.constant 0 : i32
          %dma_wait3A_421 = tpu.memref_slice %arg9[%dma_wait3A_417, %dma_wait3A_419, %dma_wait3A_420] : memref<2x128x128xf32, #tpu.memory_space<vmem>> -> memref<1x128x128xf32, #tpu.memory_space<vmem>>
          %dma_wait3A_422 = tpu.memref_squeeze %dma_wait3A_421 : memref<1x128x128xf32, #tpu.memory_space<vmem>> -> memref<128x128xf32, #tpu.memory_space<vmem>>
          %dma_wait3A_423 = arith.constant 0 : i32
          %dma_wait3A_424 = tpu.memref_slice %arg8[%dma_wait3A_418, %dma_wait3A_423] : memref<32x128xi32, #tpu.memory_space<vmem>> -> memref<1x128xi32, #tpu.memory_space<vmem>>
          %dma_wait3A_425 = tpu.memref_squeeze %dma_wait3A_424 : memref<1x128xi32, #tpu.memory_space<vmem>> -> memref<128xi32, #tpu.memory_space<vmem>>
          %dma_wait3A_426 = arith.constant 0 : i32
          %dma_wait3A_427 = arith.constant 0 : i32
          %dma_wait3A_428 = tpu.memref_slice %arg10[%dma_wait3A_426, %dma_wait3A_427] : memref<10240x128xf32, #tpu.memory_space<vmem_shared>> -> memref<10240x128xf32, #tpu.memory_space<vmem_shared>>
          tpu.wait_indirect_dma semaphore(%arg13 : memref<!tpu.dma_semaphore, #tpu.memory_space<semaphore_mem>>) src(%dma_wait3A_422 : memref<128x128xf32, #tpu.memory_space<vmem>>) dst(%dma_wait3A_428 : memref<10240x128xf32, #tpu.memory_space<vmem_shared>>)
        } else {
        }
        %ge3A_409 = arith.constant 1 : i32
        %ge3A_410 = arith.cmpi sge, %add3A_377, %ge3A_409 : i32
        %lt3A_411 = arith.constant 32 : i32
        %lt3A_412 = arith.cmpi slt, %sub3A_403, %lt3A_411 : i32
        %and3A_413 = arith.andi %ge3A_410, %lt3A_412 : i1
        %convert_element_type3A_414 = arith.extui %and3A_413 : i1 to i32
        %cond3A_415 = arith.constant 0 : i32
        %cond3A_416 = arith.cmpi ne, %convert_element_type3A_414, %cond3A_415 : i32
        scf.if %cond3A_416 {
          %dma_start3A_417 = arith.constant 0 : i32
          %dma_start3A_418 = arith.constant 0 : i32
          %dma_start3A_419 = arith.constant 0 : i32
          %dma_start3A_420 = tpu.memref_slice %arg9[%dma_start3A_417, %dma_start3A_418, %dma_start3A_419] : memref<2x128x128xf32, #tpu.memory_space<vmem>> -> memref<1x128x128xf32, #tpu.memory_space<vmem>>
          %dma_start3A_421 = tpu.memref_squeeze %dma_start3A_420 : memref<1x128x128xf32, #tpu.memory_space<vmem>> -> memref<128x128xf32, #tpu.memory_space<vmem>>
          %dma_start3A_422 = arith.constant 0 : i32
          %dma_start3A_423 = tpu.memref_slice %arg7[%sub3A_403, %dma_start3A_422] : memref<32x128xi32, #tpu.memory_space<vmem>> -> memref<1x128xi32, #tpu.memory_space<vmem>>
          %dma_start3A_424 = tpu.memref_squeeze %dma_start3A_423 : memref<1x128xi32, #tpu.memory_space<vmem>> -> memref<128xi32, #tpu.memory_space<vmem>>
          %dma_start3A_425 = arith.constant 0 : i32
          %dma_start3A_426 = arith.constant 0 : i32
          %dma_start3A_427 = tpu.memref_slice %arg2[%dma_start3A_425, %dma_start3A_426] : memref<10000x128xf32, #tpu.memory_space<hbm>> -> memref<10000x128xf32, #tpu.memory_space<hbm>>
          tpu.enqueue_indirect_dma source(%dma_start3A_427 : memref<10000x128xf32, #tpu.memory_space<hbm>>) target(%dma_start3A_421 : memref<128x128xf32, #tpu.memory_space<vmem>>) offsets(%dma_start3A_424 : memref<128xi32, #tpu.memory_space<vmem>>) semaphore(%arg11 : memref<!tpu.dma_semaphore, #tpu.memory_space<semaphore_mem>>)
        } else {
        }
      }
      %scan3A_278 = arith.constant 16 : i32
      %dma_wait3A_279 = arith.constant 1 : i32
      %dma_wait3A_280 = arith.constant 0 : i32
      %dma_wait3A_281 = arith.constant 0 : i32
      %dma_wait3A_282 = arith.constant 0 : i32
      %dma_wait3A_283 = tpu.memref_slice %arg9[%dma_wait3A_279, %dma_wait3A_281, %dma_wait3A_282] : memref<2x128x128xf32, #tpu.memory_space<vmem>> -> memref<1x128x128xf32, #tpu.memory_space<vmem>>
      %dma_wait3A_284 = tpu.memref_squeeze %dma_wait3A_283 : memref<1x128x128xf32, #tpu.memory_space<vmem>> -> memref<128x128xf32, #tpu.memory_space<vmem>>
      %dma_wait3A_285 = arith.constant 0 : i32
      %dma_wait3A_286 = tpu.memref_slice %arg8[%dma_wait3A_280, %dma_wait3A_285] : memref<32x128xi32, #tpu.memory_space<vmem>> -> memref<1x128xi32, #tpu.memory_space<vmem>>
      %dma_wait3A_287 = tpu.memref_squeeze %dma_wait3A_286 : memref<1x128xi32, #tpu.memory_space<vmem>> -> memref<128xi32, #tpu.memory_space<vmem>>
      %dma_wait3A_288 = arith.constant 0 : i32
      %dma_wait3A_289 = arith.constant 0 : i32
      %dma_wait3A_290 = tpu.memref_slice %arg10[%dma_wait3A_288, %dma_wait3A_289] : memref<10240x128xf32, #tpu.memory_space<vmem_shared>> -> memref<10240x128xf32, #tpu.memory_space<vmem_shared>>
      tpu.wait_indirect_dma semaphore(%arg14 : memref<!tpu.dma_semaphore, #tpu.memory_space<semaphore_mem>>) src(%dma_wait3A_284 : memref<128x128xf32, #tpu.memory_space<vmem>>) dst(%dma_wait3A_290 : memref<10240x128xf32, #tpu.memory_space<vmem_shared>>)
      %add3A_291 = arith.constant 64 : i32
      %add3A_292 = arith.addi %mul3A_205, %add3A_291 : i32
      "tpu.region"() ({
        %run_scoped3A_334 = tpu.sem_alloc : memref<!tpu.dma_semaphore, #tpu.memory_space<semaphore_mem>>
        %dma_start3A_335 = arith.constant 0 : i32
        %dma_start3A_336 = arith.constant 0 : i32
        %dma_start3A_337 = tpu.memref_slice %arg7[%dma_start3A_335, %dma_start3A_336] : memref<32x128xi32, #tpu.memory_space<vmem>> -> memref<8x128xi32, #tpu.memory_space<vmem>>
        %dma_start3A_338 = arith.constant 0 : i32
        %dma_start3A_339 = tpu.memref_slice %arg3[%add3A_292, %dma_start3A_338] : memref<1280x128xi32, #tpu.memory_space<hbm>> -> memref<8x128xi32, #tpu.memory_space<hbm>>
        %dma_start3A_340 = arith.constant 0 : i32
        %dma_start3A_341 = arith.constant 0 : i32
        %dma_start3A_342 = tpu.memref_slice %arg7[%dma_start3A_340, %dma_start3A_341] : memref<32x128xi32, #tpu.memory_space<vmem>> -> memref<8x128xi32, #tpu.memory_space<vmem>>
        %dma_start3A_343 = arith.constant 0 : i32
        %dma_start3A_344 = tpu.memref_slice %arg3[%add3A_292, %dma_start3A_343] : memref<1280x128xi32, #tpu.memory_space<hbm>> -> memref<8x128xi32, #tpu.memory_space<hbm>>
        tpu.enqueue_dma source(%dma_start3A_344 : memref<8x128xi32, #tpu.memory_space<hbm>>) target(%dma_start3A_342 : memref<8x128xi32, #tpu.memory_space<vmem>>) target_semaphore(%run_scoped3A_334 : memref<!tpu.dma_semaphore, #tpu.memory_space<semaphore_mem>>)
        %dma_wait3A_345 = arith.constant 0 : i32
        %dma_wait3A_346 = arith.constant 0 : i32
        %dma_wait3A_347 = tpu.memref_slice %arg7[%dma_wait3A_345, %dma_wait3A_346] : memref<32x128xi32, #tpu.memory_space<vmem>> -> memref<8x128xi32, #tpu.memory_space<vmem>>
        %dma_wait3A_348 = arith.constant 0 : i32
        %dma_wait3A_349 = tpu.memref_slice %arg3[%add3A_292, %dma_wait3A_348] : memref<1280x128xi32, #tpu.memory_space<hbm>> -> memref<8x128xi32, #tpu.memory_space<hbm>>
        %dma_wait3A_350 = arith.constant 0 : i32
        %dma_wait3A_351 = arith.constant 0 : i32
        %dma_wait3A_352 = tpu.memref_slice %arg7[%dma_wait3A_350, %dma_wait3A_351] : memref<32x128xi32, #tpu.memory_space<vmem>> -> memref<8x128xi32, #tpu.memory_space<vmem>>
        %dma_wait3A_353 = arith.constant 0 : i32
        %dma_wait3A_354 = tpu.memref_slice %arg3[%add3A_292, %dma_wait3A_353] : memref<1280x128xi32, #tpu.memory_space<hbm>> -> memref<8x128xi32, #tpu.memory_space<hbm>>
        tpu.wait_dma2 semaphore(%run_scoped3A_334 : memref<!tpu.dma_semaphore, #tpu.memory_space<semaphore_mem>>) src(%dma_wait3A_354 : memref<8x128xi32, #tpu.memory_space<hbm>>) dst(%dma_wait3A_352 : memref<8x128xi32, #tpu.memory_space<vmem>>)
        tpu.yield
      }) : () -> ()
      "tpu.region"() ({
        %run_scoped3A_334 = tpu.sem_alloc : memref<!tpu.dma_semaphore, #tpu.memory_space<semaphore_mem>>
        %dma_start3A_335 = arith.constant 0 : i32
        %dma_start3A_336 = arith.constant 0 : i32
        %dma_start3A_337 = tpu.memref_slice %arg8[%dma_start3A_335, %dma_start3A_336] : memref<32x128xi32, #tpu.memory_space<vmem>> -> memref<8x128xi32, #tpu.memory_space<vmem>>
        %dma_start3A_338 = arith.constant 0 : i32
        %dma_start3A_339 = tpu.memref_slice %arg4[%add3A_292, %dma_start3A_338] : memref<1280x128xi32, #tpu.memory_space<hbm>> -> memref<8x128xi32, #tpu.memory_space<hbm>>
        %dma_start3A_340 = arith.constant 0 : i32
        %dma_start3A_341 = arith.constant 0 : i32
        %dma_start3A_342 = tpu.memref_slice %arg8[%dma_start3A_340, %dma_start3A_341] : memref<32x128xi32, #tpu.memory_space<vmem>> -> memref<8x128xi32, #tpu.memory_space<vmem>>
        %dma_start3A_343 = arith.constant 0 : i32
        %dma_start3A_344 = tpu.memref_slice %arg4[%add3A_292, %dma_start3A_343] : memref<1280x128xi32, #tpu.memory_space<hbm>> -> memref<8x128xi32, #tpu.memory_space<hbm>>
        tpu.enqueue_dma source(%dma_start3A_344 : memref<8x128xi32, #tpu.memory_space<hbm>>) target(%dma_start3A_342 : memref<8x128xi32, #tpu.memory_space<vmem>>) target_semaphore(%run_scoped3A_334 : memref<!tpu.dma_semaphore, #tpu.memory_space<semaphore_mem>>)
        %dma_wait3A_345 = arith.constant 0 : i32
        %dma_wait3A_346 = arith.constant 0 : i32
        %dma_wait3A_347 = tpu.memref_slice %arg8[%dma_wait3A_345, %dma_wait3A_346] : memref<32x128xi32, #tpu.memory_space<vmem>> -> memref<8x128xi32, #tpu.memory_space<vmem>>
        %dma_wait3A_348 = arith.constant 0 : i32
        %dma_wait3A_349 = tpu.memref_slice %arg4[%add3A_292, %dma_wait3A_348] : memref<1280x128xi32, #tpu.memory_space<hbm>> -> memref<8x128xi32, #tpu.memory_space<hbm>>
        %dma_wait3A_350 = arith.constant 0 : i32
        %dma_wait3A_351 = arith.constant 0 : i32
        %dma_wait3A_352 = tpu.memref_slice %arg8[%dma_wait3A_350, %dma_wait3A_351] : memref<32x128xi32, #tpu.memory_space<vmem>> -> memref<8x128xi32, #tpu.memory_space<vmem>>
        %dma_wait3A_353 = arith.constant 0 : i32
        %dma_wait3A_354 = tpu.memref_slice %arg4[%add3A_292, %dma_wait3A_353] : memref<1280x128xi32, #tpu.memory_space<hbm>> -> memref<8x128xi32, #tpu.memory_space<hbm>>
        tpu.wait_dma2 semaphore(%run_scoped3A_334 : memref<!tpu.dma_semaphore, #tpu.memory_space<semaphore_mem>>) src(%dma_wait3A_354 : memref<8x128xi32, #tpu.memory_space<hbm>>) dst(%dma_wait3A_352 : memref<8x128xi32, #tpu.memory_space<vmem>>)
        tpu.yield
      }) : () -> ()
      %dma_start3A_293 = arith.constant 0 : i32
      %dma_start3A_294 = arith.constant 0 : i32
      %dma_start3A_295 = arith.constant 0 : i32
      %dma_start3A_296 = arith.constant 0 : i32
      %dma_start3A_297 = tpu.memref_slice %arg9[%dma_start3A_294, %dma_start3A_295, %dma_start3A_296] : memref<2x128x128xf32, #tpu.memory_space<vmem>> -> memref<1x128x128xf32, #tpu.memory_space<vmem>>
      %dma_start3A_298 = tpu.memref_squeeze %dma_start3A_297 : memref<1x128x128xf32, #tpu.memory_space<vmem>> -> memref<128x128xf32, #tpu.memory_space<vmem>>
      %dma_start3A_299 = arith.constant 0 : i32
      %dma_start3A_300 = tpu.memref_slice %arg7[%dma_start3A_293, %dma_start3A_299] : memref<32x128xi32, #tpu.memory_space<vmem>> -> memref<1x128xi32, #tpu.memory_space<vmem>>
      %dma_start3A_301 = tpu.memref_squeeze %dma_start3A_300 : memref<1x128xi32, #tpu.memory_space<vmem>> -> memref<128xi32, #tpu.memory_space<vmem>>
      %dma_start3A_302 = arith.constant 0 : i32
      %dma_start3A_303 = arith.constant 0 : i32
      %dma_start3A_304 = tpu.memref_slice %arg2[%dma_start3A_302, %dma_start3A_303] : memref<10000x128xf32, #tpu.memory_space<hbm>> -> memref<10000x128xf32, #tpu.memory_space<hbm>>
      tpu.enqueue_indirect_dma source(%dma_start3A_304 : memref<10000x128xf32, #tpu.memory_space<hbm>>) target(%dma_start3A_298 : memref<128x128xf32, #tpu.memory_space<vmem>>) offsets(%dma_start3A_301 : memref<128xi32, #tpu.memory_space<vmem>>) semaphore(%arg11 : memref<!tpu.dma_semaphore, #tpu.memory_space<semaphore_mem>>)
      %dma_start3A_305 = arith.constant 1 : i32
      %dma_start3A_306 = arith.constant 1 : i32
      %dma_start3A_307 = arith.constant 0 : i32
      %dma_start3A_308 = arith.constant 0 : i32
      %dma_start3A_309 = tpu.memref_slice %arg9[%dma_start3A_306, %dma_start3A_307, %dma_start3A_308] : memref<2x128x128xf32, #tpu.memory_space<vmem>> -> memref<1x128x128xf32, #tpu.memory_space<vmem>>
      %dma_start3A_310 = tpu.memref_squeeze %dma_start3A_309 : memref<1x128x128xf32, #tpu.memory_space<vmem>> -> memref<128x128xf32, #tpu.memory_space<vmem>>
      %dma_start3A_311 = arith.constant 0 : i32
      %dma_start3A_312 = tpu.memref_slice %arg7[%dma_start3A_305, %dma_start3A_311] : memref<32x128xi32, #tpu.memory_space<vmem>> -> memref<1x128xi32, #tpu.memory_space<vmem>>
      %dma_start3A_313 = tpu.memref_squeeze %dma_start3A_312 : memref<1x128xi32, #tpu.memory_space<vmem>> -> memref<128xi32, #tpu.memory_space<vmem>>
      %dma_start3A_314 = arith.constant 0 : i32
      %dma_start3A_315 = arith.constant 0 : i32
      %dma_start3A_316 = tpu.memref_slice %arg2[%dma_start3A_314, %dma_start3A_315] : memref<10000x128xf32, #tpu.memory_space<hbm>> -> memref<10000x128xf32, #tpu.memory_space<hbm>>
      tpu.enqueue_indirect_dma source(%dma_start3A_316 : memref<10000x128xf32, #tpu.memory_space<hbm>>) target(%dma_start3A_310 : memref<128x128xf32, #tpu.memory_space<vmem>>) offsets(%dma_start3A_313 : memref<128xi32, #tpu.memory_space<vmem>>) semaphore(%arg12 : memref<!tpu.dma_semaphore, #tpu.memory_space<semaphore_mem>>)
      %scan3A_317 = arith.constant 0 : i32
      %scan3A_318 = arith.constant 4 : i32
      %scan3A_319 = arith.addi %scan3A_317, %scan3A_318 : i32
      %scan3A_320 = arith.constant 1 : i32
      scf.for %scan3A_334 = %scan3A_317 to %scan3A_319 step %scan3A_320  : i32 {
        %mul3A_335 = arith.constant 2 : i32
        %mul3A_336 = arith.muli %scan3A_334, %mul3A_335 : i32
        %add3A_337 = arith.constant 0 : i32
        %add3A_338 = arith.addi %mul3A_336, %add3A_337 : i32
        %dma_wait3A_339 = arith.constant 0 : i32
        %dma_wait3A_340 = arith.constant 0 : i32
        %dma_wait3A_341 = arith.constant 0 : i32
        %dma_wait3A_342 = tpu.memref_slice %arg9[%dma_wait3A_339, %dma_wait3A_340, %dma_wait3A_341] : memref<2x128x128xf32, #tpu.memory_space<vmem>> -> memref<1x128x128xf32, #tpu.memory_space<vmem>>
        %dma_wait3A_343 = tpu.memref_squeeze %dma_wait3A_342 : memref<1x128x128xf32, #tpu.memory_space<vmem>> -> memref<128x128xf32, #tpu.memory_space<vmem>>
        %dma_wait3A_344 = arith.constant 0 : i32
        %dma_wait3A_345 = tpu.memref_slice %arg7[%add3A_338, %dma_wait3A_344] : memref<32x128xi32, #tpu.memory_space<vmem>> -> memref<1x128xi32, #tpu.memory_space<vmem>>
        %dma_wait3A_346 = tpu.memref_squeeze %dma_wait3A_345 : memref<1x128xi32, #tpu.memory_space<vmem>> -> memref<128xi32, #tpu.memory_space<vmem>>
        %dma_wait3A_347 = arith.constant 0 : i32
        %dma_wait3A_348 = arith.constant 0 : i32
        %dma_wait3A_349 = tpu.memref_slice %arg2[%dma_wait3A_347, %dma_wait3A_348] : memref<10000x128xf32, #tpu.memory_space<hbm>> -> memref<10000x128xf32, #tpu.memory_space<hbm>>
        tpu.wait_indirect_dma semaphore(%arg11 : memref<!tpu.dma_semaphore, #tpu.memory_space<semaphore_mem>>) src(%dma_wait3A_349 : memref<10000x128xf32, #tpu.memory_space<hbm>>) dst(%dma_wait3A_343 : memref<128x128xf32, #tpu.memory_space<vmem>>)
        %dma_start3A_350 = arith.constant 0 : i32
        %dma_start3A_351 = arith.constant 0 : i32
        %dma_start3A_352 = arith.constant 0 : i32
        %dma_start3A_353 = tpu.memref_slice %arg9[%dma_start3A_350, %dma_start3A_351, %dma_start3A_352] : memref<2x128x128xf32, #tpu.memory_space<vmem>> -> memref<1x128x128xf32, #tpu.memory_space<vmem>>
        %dma_start3A_354 = tpu.memref_squeeze %dma_start3A_353 : memref<1x128x128xf32, #tpu.memory_space<vmem>> -> memref<128x128xf32, #tpu.memory_space<vmem>>
        %dma_start3A_355 = arith.constant 0 : i32
        %dma_start3A_356 = tpu.memref_slice %arg8[%add3A_338, %dma_start3A_355] : memref<32x128xi32, #tpu.memory_space<vmem>> -> memref<1x128xi32, #tpu.memory_space<vmem>>
        %dma_start3A_357 = tpu.memref_squeeze %dma_start3A_356 : memref<1x128xi32, #tpu.memory_space<vmem>> -> memref<128xi32, #tpu.memory_space<vmem>>
        %dma_start3A_358 = arith.constant 0 : i32
        %dma_start3A_359 = arith.constant 0 : i32
        %dma_start3A_360 = tpu.memref_slice %arg10[%dma_start3A_358, %dma_start3A_359] : memref<10240x128xf32, #tpu.memory_space<vmem_shared>> -> memref<10240x128xf32, #tpu.memory_space<vmem_shared>>
        tpu.enqueue_indirect_dma source(%dma_start3A_354 : memref<128x128xf32, #tpu.memory_space<vmem>>) target(%dma_start3A_360 : memref<10240x128xf32, #tpu.memory_space<vmem_shared>>) offsets(%dma_start3A_357 : memref<128xi32, #tpu.memory_space<vmem>>) semaphore(%arg13 : memref<!tpu.dma_semaphore, #tpu.memory_space<semaphore_mem>>) {add = true}
        %add3A_361 = arith.constant 2 : i32
        %add3A_362 = arith.addi %add3A_338, %add3A_361 : i32
        %sub3A = arith.constant 1 : i32
        %sub3A_363 = arith.subi %add3A_362, %sub3A : i32
        %ge3A = arith.constant 1 : i32
        %ge3A_364 = arith.cmpi sge, %add3A_338, %ge3A : i32
        %convert_element_type3A_365 = arith.extui %ge3A_364 : i1 to i32
        %cond3A_366 = arith.constant 0 : i32
        %cond3A_367 = arith.cmpi ne, %convert_element_type3A_365, %cond3A_366 : i32
        scf.if %cond3A_367 {
          %dma_wait3A_417 = arith.constant 1 : i32
          %dma_wait3A_418 = arith.constant 0 : i32
          %dma_wait3A_419 = arith.constant 0 : i32
          %dma_wait3A_420 = arith.constant 0 : i32
          %dma_wait3A_421 = tpu.memref_slice %arg9[%dma_wait3A_417, %dma_wait3A_419, %dma_wait3A_420] : memref<2x128x128xf32, #tpu.memory_space<vmem>> -> memref<1x128x128xf32, #tpu.memory_space<vmem>>
          %dma_wait3A_422 = tpu.memref_squeeze %dma_wait3A_421 : memref<1x128x128xf32, #tpu.memory_space<vmem>> -> memref<128x128xf32, #tpu.memory_space<vmem>>
          %dma_wait3A_423 = arith.constant 0 : i32
          %dma_wait3A_424 = tpu.memref_slice %arg8[%dma_wait3A_418, %dma_wait3A_423] : memref<32x128xi32, #tpu.memory_space<vmem>> -> memref<1x128xi32, #tpu.memory_space<vmem>>
          %dma_wait3A_425 = tpu.memref_squeeze %dma_wait3A_424 : memref<1x128xi32, #tpu.memory_space<vmem>> -> memref<128xi32, #tpu.memory_space<vmem>>
          %dma_wait3A_426 = arith.constant 0 : i32
          %dma_wait3A_427 = arith.constant 0 : i32
          %dma_wait3A_428 = tpu.memref_slice %arg10[%dma_wait3A_426, %dma_wait3A_427] : memref<10240x128xf32, #tpu.memory_space<vmem_shared>> -> memref<10240x128xf32, #tpu.memory_space<vmem_shared>>
          tpu.wait_indirect_dma semaphore(%arg14 : memref<!tpu.dma_semaphore, #tpu.memory_space<semaphore_mem>>) src(%dma_wait3A_422 : memref<128x128xf32, #tpu.memory_space<vmem>>) dst(%dma_wait3A_428 : memref<10240x128xf32, #tpu.memory_space<vmem_shared>>)
        } else {
        }
        %ge3A_368 = arith.constant 1 : i32
        %ge3A_369 = arith.cmpi sge, %add3A_338, %ge3A_368 : i32
        %lt3A = arith.constant 8 : i32
        %lt3A_370 = arith.cmpi slt, %sub3A_363, %lt3A : i32
        %and3A = arith.andi %ge3A_369, %lt3A_370 : i1
        %convert_element_type3A_371 = arith.extui %and3A : i1 to i32
        %cond3A_372 = arith.constant 0 : i32
        %cond3A_373 = arith.cmpi ne, %convert_element_type3A_371, %cond3A_372 : i32
        scf.if %cond3A_373 {
          %dma_start3A_417 = arith.constant 1 : i32
          %dma_start3A_418 = arith.constant 0 : i32
          %dma_start3A_419 = arith.constant 0 : i32
          %dma_start3A_420 = tpu.memref_slice %arg9[%dma_start3A_417, %dma_start3A_418, %dma_start3A_419] : memref<2x128x128xf32, #tpu.memory_space<vmem>> -> memref<1x128x128xf32, #tpu.memory_space<vmem>>
          %dma_start3A_421 = tpu.memref_squeeze %dma_start3A_420 : memref<1x128x128xf32, #tpu.memory_space<vmem>> -> memref<128x128xf32, #tpu.memory_space<vmem>>
          %dma_start3A_422 = arith.constant 0 : i32
          %dma_start3A_423 = tpu.memref_slice %arg7[%sub3A_363, %dma_start3A_422] : memref<32x128xi32, #tpu.memory_space<vmem>> -> memref<1x128xi32, #tpu.memory_space<vmem>>
          %dma_start3A_424 = tpu.memref_squeeze %dma_start3A_423 : memref<1x128xi32, #tpu.memory_space<vmem>> -> memref<128xi32, #tpu.memory_space<vmem>>
          %dma_start3A_425 = arith.constant 0 : i32
          %dma_start3A_426 = arith.constant 0 : i32
          %dma_start3A_427 = tpu.memref_slice %arg2[%dma_start3A_425, %dma_start3A_426] : memref<10000x128xf32, #tpu.memory_space<hbm>> -> memref<10000x128xf32, #tpu.memory_space<hbm>>
          tpu.enqueue_indirect_dma source(%dma_start3A_427 : memref<10000x128xf32, #tpu.memory_space<hbm>>) target(%dma_start3A_421 : memref<128x128xf32, #tpu.memory_space<vmem>>) offsets(%dma_start3A_424 : memref<128xi32, #tpu.memory_space<vmem>>) semaphore(%arg12 : memref<!tpu.dma_semaphore, #tpu.memory_space<semaphore_mem>>)
        } else {
        }
        %mul3A_374 = arith.constant 2 : i32
        %mul3A_375 = arith.muli %scan3A_334, %mul3A_374 : i32
        %add3A_376 = arith.constant 1 : i32
        %add3A_377 = arith.addi %mul3A_375, %add3A_376 : i32
        %dma_wait3A_378 = arith.constant 1 : i32
        %dma_wait3A_379 = arith.constant 0 : i32
        %dma_wait3A_380 = arith.constant 0 : i32
        %dma_wait3A_381 = tpu.memref_slice %arg9[%dma_wait3A_378, %dma_wait3A_379, %dma_wait3A_380] : memref<2x128x128xf32, #tpu.memory_space<vmem>> -> memref<1x128x128xf32, #tpu.memory_space<vmem>>
        %dma_wait3A_382 = tpu.memref_squeeze %dma_wait3A_381 : memref<1x128x128xf32, #tpu.memory_space<vmem>> -> memref<128x128xf32, #tpu.memory_space<vmem>>
        %dma_wait3A_383 = arith.constant 0 : i32
        %dma_wait3A_384 = tpu.memref_slice %arg7[%add3A_377, %dma_wait3A_383] : memref<32x128xi32, #tpu.memory_space<vmem>> -> memref<1x128xi32, #tpu.memory_space<vmem>>
        %dma_wait3A_385 = tpu.memref_squeeze %dma_wait3A_384 : memref<1x128xi32, #tpu.memory_space<vmem>> -> memref<128xi32, #tpu.memory_space<vmem>>
        %dma_wait3A_386 = arith.constant 0 : i32
        %dma_wait3A_387 = arith.constant 0 : i32
        %dma_wait3A_388 = tpu.memref_slice %arg2[%dma_wait3A_386, %dma_wait3A_387] : memref<10000x128xf32, #tpu.memory_space<hbm>> -> memref<10000x128xf32, #tpu.memory_space<hbm>>
        tpu.wait_indirect_dma semaphore(%arg12 : memref<!tpu.dma_semaphore, #tpu.memory_space<semaphore_mem>>) src(%dma_wait3A_388 : memref<10000x128xf32, #tpu.memory_space<hbm>>) dst(%dma_wait3A_382 : memref<128x128xf32, #tpu.memory_space<vmem>>)
        %dma_start3A_389 = arith.constant 1 : i32
        %dma_start3A_390 = arith.constant 0 : i32
        %dma_start3A_391 = arith.constant 0 : i32
        %dma_start3A_392 = tpu.memref_slice %arg9[%dma_start3A_389, %dma_start3A_390, %dma_start3A_391] : memref<2x128x128xf32, #tpu.memory_space<vmem>> -> memref<1x128x128xf32, #tpu.memory_space<vmem>>
        %dma_start3A_393 = tpu.memref_squeeze %dma_start3A_392 : memref<1x128x128xf32, #tpu.memory_space<vmem>> -> memref<128x128xf32, #tpu.memory_space<vmem>>
        %dma_start3A_394 = arith.constant 0 : i32
        %dma_start3A_395 = tpu.memref_slice %arg8[%add3A_377, %dma_start3A_394] : memref<32x128xi32, #tpu.memory_space<vmem>> -> memref<1x128xi32, #tpu.memory_space<vmem>>
        %dma_start3A_396 = tpu.memref_squeeze %dma_start3A_395 : memref<1x128xi32, #tpu.memory_space<vmem>> -> memref<128xi32, #tpu.memory_space<vmem>>
        %dma_start3A_397 = arith.constant 0 : i32
        %dma_start3A_398 = arith.constant 0 : i32
        %dma_start3A_399 = tpu.memref_slice %arg10[%dma_start3A_397, %dma_start3A_398] : memref<10240x128xf32, #tpu.memory_space<vmem_shared>> -> memref<10240x128xf32, #tpu.memory_space<vmem_shared>>
        tpu.enqueue_indirect_dma source(%dma_start3A_393 : memref<128x128xf32, #tpu.memory_space<vmem>>) target(%dma_start3A_399 : memref<10240x128xf32, #tpu.memory_space<vmem_shared>>) offsets(%dma_start3A_396 : memref<128xi32, #tpu.memory_space<vmem>>) semaphore(%arg14 : memref<!tpu.dma_semaphore, #tpu.memory_space<semaphore_mem>>) {add = true}
        %add3A_400 = arith.constant 2 : i32
        %add3A_401 = arith.addi %add3A_377, %add3A_400 : i32
        %sub3A_402 = arith.constant 1 : i32
        %sub3A_403 = arith.subi %add3A_401, %sub3A_402 : i32
        %ge3A_404 = arith.constant 1 : i32
        %ge3A_405 = arith.cmpi sge, %add3A_377, %ge3A_404 : i32
        %convert_element_type3A_406 = arith.extui %ge3A_405 : i1 to i32
        %cond3A_407 = arith.constant 0 : i32
        %cond3A_408 = arith.cmpi ne, %convert_element_type3A_406, %cond3A_407 : i32
        scf.if %cond3A_408 {
          %dma_wait3A_417 = arith.constant 0 : i32
          %dma_wait3A_418 = arith.constant 0 : i32
          %dma_wait3A_419 = arith.constant 0 : i32
          %dma_wait3A_420 = arith.constant 0 : i32
          %dma_wait3A_421 = tpu.memref_slice %arg9[%dma_wait3A_417, %dma_wait3A_419, %dma_wait3A_420] : memref<2x128x128xf32, #tpu.memory_space<vmem>> -> memref<1x128x128xf32, #tpu.memory_space<vmem>>
          %dma_wait3A_422 = tpu.memref_squeeze %dma_wait3A_421 : memref<1x128x128xf32, #tpu.memory_space<vmem>> -> memref<128x128xf32, #tpu.memory_space<vmem>>
          %dma_wait3A_423 = arith.constant 0 : i32
          %dma_wait3A_424 = tpu.memref_slice %arg8[%dma_wait3A_418, %dma_wait3A_423] : memref<32x128xi32, #tpu.memory_space<vmem>> -> memref<1x128xi32, #tpu.memory_space<vmem>>
          %dma_wait3A_425 = tpu.memref_squeeze %dma_wait3A_424 : memref<1x128xi32, #tpu.memory_space<vmem>> -> memref<128xi32, #tpu.memory_space<vmem>>
          %dma_wait3A_426 = arith.constant 0 : i32
          %dma_wait3A_427 = arith.constant 0 : i32
          %dma_wait3A_428 = tpu.memref_slice %arg10[%dma_wait3A_426, %dma_wait3A_427] : memref<10240x128xf32, #tpu.memory_space<vmem_shared>> -> memref<10240x128xf32, #tpu.memory_space<vmem_shared>>
          tpu.wait_indirect_dma semaphore(%arg13 : memref<!tpu.dma_semaphore, #tpu.memory_space<semaphore_mem>>) src(%dma_wait3A_422 : memref<128x128xf32, #tpu.memory_space<vmem>>) dst(%dma_wait3A_428 : memref<10240x128xf32, #tpu.memory_space<vmem_shared>>)
        } else {
        }
        %ge3A_409 = arith.constant 1 : i32
        %ge3A_410 = arith.cmpi sge, %add3A_377, %ge3A_409 : i32
        %lt3A_411 = arith.constant 8 : i32
        %lt3A_412 = arith.cmpi slt, %sub3A_403, %lt3A_411 : i32
        %and3A_413 = arith.andi %ge3A_410, %lt3A_412 : i1
        %convert_element_type3A_414 = arith.extui %and3A_413 : i1 to i32
        %cond3A_415 = arith.constant 0 : i32
        %cond3A_416 = arith.cmpi ne, %convert_element_type3A_414, %cond3A_415 : i32
        scf.if %cond3A_416 {
          %dma_start3A_417 = arith.constant 0 : i32
          %dma_start3A_418 = arith.constant 0 : i32
          %dma_start3A_419 = arith.constant 0 : i32
          %dma_start3A_420 = tpu.memref_slice %arg9[%dma_start3A_417, %dma_start3A_418, %dma_start3A_419] : memref<2x128x128xf32, #tpu.memory_space<vmem>> -> memref<1x128x128xf32, #tpu.memory_space<vmem>>
          %dma_start3A_421 = tpu.memref_squeeze %dma_start3A_420 : memref<1x128x128xf32, #tpu.memory_space<vmem>> -> memref<128x128xf32, #tpu.memory_space<vmem>>
          %dma_start3A_422 = arith.constant 0 : i32
          %dma_start3A_423 = tpu.memref_slice %arg7[%sub3A_403, %dma_start3A_422] : memref<32x128xi32, #tpu.memory_space<vmem>> -> memref<1x128xi32, #tpu.memory_space<vmem>>
          %dma_start3A_424 = tpu.memref_squeeze %dma_start3A_423 : memref<1x128xi32, #tpu.memory_space<vmem>> -> memref<128xi32, #tpu.memory_space<vmem>>
          %dma_start3A_425 = arith.constant 0 : i32
          %dma_start3A_426 = arith.constant 0 : i32
          %dma_start3A_427 = tpu.memref_slice %arg2[%dma_start3A_425, %dma_start3A_426] : memref<10000x128xf32, #tpu.memory_space<hbm>> -> memref<10000x128xf32, #tpu.memory_space<hbm>>
          tpu.enqueue_indirect_dma source(%dma_start3A_427 : memref<10000x128xf32, #tpu.memory_space<hbm>>) target(%dma_start3A_421 : memref<128x128xf32, #tpu.memory_space<vmem>>) offsets(%dma_start3A_424 : memref<128xi32, #tpu.memory_space<vmem>>) semaphore(%arg11 : memref<!tpu.dma_semaphore, #tpu.memory_space<semaphore_mem>>)
        } else {
        }
      }
      %scan3A_321 = arith.constant 4 : i32
      %dma_wait3A_322 = arith.constant 1 : i32
      %dma_wait3A_323 = arith.constant 0 : i32
      %dma_wait3A_324 = arith.constant 0 : i32
      %dma_wait3A_325 = arith.constant 0 : i32
      %dma_wait3A_326 = tpu.memref_slice %arg9[%dma_wait3A_322, %dma_wait3A_324, %dma_wait3A_325] : memref<2x128x128xf32, #tpu.memory_space<vmem>> -> memref<1x128x128xf32, #tpu.memory_space<vmem>>
      %dma_wait3A_327 = tpu.memref_squeeze %dma_wait3A_326 : memref<1x128x128xf32, #tpu.memory_space<vmem>> -> memref<128x128xf32, #tpu.memory_space<vmem>>
      %dma_wait3A_328 = arith.constant 0 : i32
      %dma_wait3A_329 = tpu.memref_slice %arg8[%dma_wait3A_323, %dma_wait3A_328] : memref<32x128xi32, #tpu.memory_space<vmem>> -> memref<1x128xi32, #tpu.memory_space<vmem>>
      %dma_wait3A_330 = tpu.memref_squeeze %dma_wait3A_329 : memref<1x128xi32, #tpu.memory_space<vmem>> -> memref<128xi32, #tpu.memory_space<vmem>>
      %dma_wait3A_331 = arith.constant 0 : i32
      %dma_wait3A_332 = arith.constant 0 : i32
      %dma_wait3A_333 = tpu.memref_slice %arg10[%dma_wait3A_331, %dma_wait3A_332] : memref<10240x128xf32, #tpu.memory_space<vmem_shared>> -> memref<10240x128xf32, #tpu.memory_space<vmem_shared>>
      tpu.wait_indirect_dma semaphore(%arg14 : memref<!tpu.dma_semaphore, #tpu.memory_space<semaphore_mem>>) src(%dma_wait3A_327 : memref<128x128xf32, #tpu.memory_space<vmem>>) dst(%dma_wait3A_333 : memref<10240x128xf32, #tpu.memory_space<vmem_shared>>)
    } else {
    }
    %eq3A_25 = arith.constant 1 : i32
    %eq3A_26 = arith.cmpi eq, %arg0, %eq3A_25 : i32
    %convert_element_type3A_27 = arith.extui %eq3A_26 : i1 to i32
    %cond3A_28 = arith.constant 0 : i32
    %cond3A_29 = arith.cmpi ne, %convert_element_type3A_27, %cond3A_28 : i32
    scf.if %cond3A_29 {
      %mul3A_204 = arith.constant 8 : i32
      %mul3A_205 = arith.muli %arg1, %mul3A_204 : i32
      %add3A_206 = arith.constant 1152 : i32
      %add3A_207 = arith.addi %add3A_206, %mul3A_205 : i32
      %add3A_208 = arith.constant 0 : i32
      %add3A_209 = arith.addi %add3A_207, %add3A_208 : i32
      "tpu.region"() ({
        %run_scoped3A_250 = tpu.sem_alloc : memref<!tpu.dma_semaphore, #tpu.memory_space<semaphore_mem>>
        %dma_start3A_251 = arith.constant 0 : i32
        %dma_start3A_252 = arith.constant 0 : i32
        %dma_start3A_253 = tpu.memref_slice %arg7[%dma_start3A_251, %dma_start3A_252] : memref<32x128xi32, #tpu.memory_space<vmem>> -> memref<8x128xi32, #tpu.memory_space<vmem>>
        %dma_start3A_254 = arith.constant 0 : i32
        %dma_start3A_255 = tpu.memref_slice %arg3[%add3A_209, %dma_start3A_254] : memref<1280x128xi32, #tpu.memory_space<hbm>> -> memref<8x128xi32, #tpu.memory_space<hbm>>
        %dma_start3A_256 = arith.constant 0 : i32
        %dma_start3A_257 = arith.constant 0 : i32
        %dma_start3A_258 = tpu.memref_slice %arg7[%dma_start3A_256, %dma_start3A_257] : memref<32x128xi32, #tpu.memory_space<vmem>> -> memref<8x128xi32, #tpu.memory_space<vmem>>
        %dma_start3A_259 = arith.constant 0 : i32
        %dma_start3A_260 = tpu.memref_slice %arg3[%add3A_209, %dma_start3A_259] : memref<1280x128xi32, #tpu.memory_space<hbm>> -> memref<8x128xi32, #tpu.memory_space<hbm>>
        tpu.enqueue_dma source(%dma_start3A_260 : memref<8x128xi32, #tpu.memory_space<hbm>>) target(%dma_start3A_258 : memref<8x128xi32, #tpu.memory_space<vmem>>) target_semaphore(%run_scoped3A_250 : memref<!tpu.dma_semaphore, #tpu.memory_space<semaphore_mem>>)
        %dma_wait3A_261 = arith.constant 0 : i32
        %dma_wait3A_262 = arith.constant 0 : i32
        %dma_wait3A_263 = tpu.memref_slice %arg7[%dma_wait3A_261, %dma_wait3A_262] : memref<32x128xi32, #tpu.memory_space<vmem>> -> memref<8x128xi32, #tpu.memory_space<vmem>>
        %dma_wait3A_264 = arith.constant 0 : i32
        %dma_wait3A_265 = tpu.memref_slice %arg3[%add3A_209, %dma_wait3A_264] : memref<1280x128xi32, #tpu.memory_space<hbm>> -> memref<8x128xi32, #tpu.memory_space<hbm>>
        %dma_wait3A_266 = arith.constant 0 : i32
        %dma_wait3A_267 = arith.constant 0 : i32
        %dma_wait3A_268 = tpu.memref_slice %arg7[%dma_wait3A_266, %dma_wait3A_267] : memref<32x128xi32, #tpu.memory_space<vmem>> -> memref<8x128xi32, #tpu.memory_space<vmem>>
        %dma_wait3A_269 = arith.constant 0 : i32
        %dma_wait3A_270 = tpu.memref_slice %arg3[%add3A_209, %dma_wait3A_269] : memref<1280x128xi32, #tpu.memory_space<hbm>> -> memref<8x128xi32, #tpu.memory_space<hbm>>
        tpu.wait_dma2 semaphore(%run_scoped3A_250 : memref<!tpu.dma_semaphore, #tpu.memory_space<semaphore_mem>>) src(%dma_wait3A_270 : memref<8x128xi32, #tpu.memory_space<hbm>>) dst(%dma_wait3A_268 : memref<8x128xi32, #tpu.memory_space<vmem>>)
        tpu.yield
      }) : () -> ()
      "tpu.region"() ({
        %run_scoped3A_250 = tpu.sem_alloc : memref<!tpu.dma_semaphore, #tpu.memory_space<semaphore_mem>>
        %dma_start3A_251 = arith.constant 0 : i32
        %dma_start3A_252 = arith.constant 0 : i32
        %dma_start3A_253 = tpu.memref_slice %arg8[%dma_start3A_251, %dma_start3A_252] : memref<32x128xi32, #tpu.memory_space<vmem>> -> memref<8x128xi32, #tpu.memory_space<vmem>>
        %dma_start3A_254 = arith.constant 0 : i32
        %dma_start3A_255 = tpu.memref_slice %arg4[%add3A_209, %dma_start3A_254] : memref<1280x128xi32, #tpu.memory_space<hbm>> -> memref<8x128xi32, #tpu.memory_space<hbm>>
        %dma_start3A_256 = arith.constant 0 : i32
        %dma_start3A_257 = arith.constant 0 : i32
        %dma_start3A_258 = tpu.memref_slice %arg8[%dma_start3A_256, %dma_start3A_257] : memref<32x128xi32, #tpu.memory_space<vmem>> -> memref<8x128xi32, #tpu.memory_space<vmem>>
        %dma_start3A_259 = arith.constant 0 : i32
        %dma_start3A_260 = tpu.memref_slice %arg4[%add3A_209, %dma_start3A_259] : memref<1280x128xi32, #tpu.memory_space<hbm>> -> memref<8x128xi32, #tpu.memory_space<hbm>>
        tpu.enqueue_dma source(%dma_start3A_260 : memref<8x128xi32, #tpu.memory_space<hbm>>) target(%dma_start3A_258 : memref<8x128xi32, #tpu.memory_space<vmem>>) target_semaphore(%run_scoped3A_250 : memref<!tpu.dma_semaphore, #tpu.memory_space<semaphore_mem>>)
        %dma_wait3A_261 = arith.constant 0 : i32
        %dma_wait3A_262 = arith.constant 0 : i32
        %dma_wait3A_263 = tpu.memref_slice %arg8[%dma_wait3A_261, %dma_wait3A_262] : memref<32x128xi32, #tpu.memory_space<vmem>> -> memref<8x128xi32, #tpu.memory_space<vmem>>
        %dma_wait3A_264 = arith.constant 0 : i32
        %dma_wait3A_265 = tpu.memref_slice %arg4[%add3A_209, %dma_wait3A_264] : memref<1280x128xi32, #tpu.memory_space<hbm>> -> memref<8x128xi32, #tpu.memory_space<hbm>>
        %dma_wait3A_266 = arith.constant 0 : i32
        %dma_wait3A_267 = arith.constant 0 : i32
        %dma_wait3A_268 = tpu.memref_slice %arg8[%dma_wait3A_266, %dma_wait3A_267] : memref<32x128xi32, #tpu.memory_space<vmem>> -> memref<8x128xi32, #tpu.memory_space<vmem>>
        %dma_wait3A_269 = arith.constant 0 : i32
        %dma_wait3A_270 = tpu.memref_slice %arg4[%add3A_209, %dma_wait3A_269] : memref<1280x128xi32, #tpu.memory_space<hbm>> -> memref<8x128xi32, #tpu.memory_space<hbm>>
        tpu.wait_dma2 semaphore(%run_scoped3A_250 : memref<!tpu.dma_semaphore, #tpu.memory_space<semaphore_mem>>) src(%dma_wait3A_270 : memref<8x128xi32, #tpu.memory_space<hbm>>) dst(%dma_wait3A_268 : memref<8x128xi32, #tpu.memory_space<vmem>>)
        tpu.yield
      }) : () -> ()
      %dma_start3A_210 = arith.constant 0 : i32
      %dma_start3A_211 = arith.constant 0 : i32
      %dma_start3A_212 = arith.constant 0 : i32
      %dma_start3A_213 = arith.constant 0 : i32
      %dma_start3A_214 = tpu.memref_slice %arg9[%dma_start3A_211, %dma_start3A_212, %dma_start3A_213] : memref<2x128x128xf32, #tpu.memory_space<vmem>> -> memref<1x128x128xf32, #tpu.memory_space<vmem>>
      %dma_start3A_215 = tpu.memref_squeeze %dma_start3A_214 : memref<1x128x128xf32, #tpu.memory_space<vmem>> -> memref<128x128xf32, #tpu.memory_space<vmem>>
      %dma_start3A_216 = arith.constant 0 : i32
      %dma_start3A_217 = tpu.memref_slice %arg7[%dma_start3A_210, %dma_start3A_216] : memref<32x128xi32, #tpu.memory_space<vmem>> -> memref<1x128xi32, #tpu.memory_space<vmem>>
      %dma_start3A_218 = tpu.memref_squeeze %dma_start3A_217 : memref<1x128xi32, #tpu.memory_space<vmem>> -> memref<128xi32, #tpu.memory_space<vmem>>
      %dma_start3A_219 = arith.constant 0 : i32
      %dma_start3A_220 = arith.constant 0 : i32
      %dma_start3A_221 = tpu.memref_slice %arg2[%dma_start3A_219, %dma_start3A_220] : memref<10000x128xf32, #tpu.memory_space<hbm>> -> memref<10000x128xf32, #tpu.memory_space<hbm>>
      tpu.enqueue_indirect_dma source(%dma_start3A_221 : memref<10000x128xf32, #tpu.memory_space<hbm>>) target(%dma_start3A_215 : memref<128x128xf32, #tpu.memory_space<vmem>>) offsets(%dma_start3A_218 : memref<128xi32, #tpu.memory_space<vmem>>) semaphore(%arg11 : memref<!tpu.dma_semaphore, #tpu.memory_space<semaphore_mem>>)
      %dma_start3A_222 = arith.constant 1 : i32
      %dma_start3A_223 = arith.constant 1 : i32
      %dma_start3A_224 = arith.constant 0 : i32
      %dma_start3A_225 = arith.constant 0 : i32
      %dma_start3A_226 = tpu.memref_slice %arg9[%dma_start3A_223, %dma_start3A_224, %dma_start3A_225] : memref<2x128x128xf32, #tpu.memory_space<vmem>> -> memref<1x128x128xf32, #tpu.memory_space<vmem>>
      %dma_start3A_227 = tpu.memref_squeeze %dma_start3A_226 : memref<1x128x128xf32, #tpu.memory_space<vmem>> -> memref<128x128xf32, #tpu.memory_space<vmem>>
      %dma_start3A_228 = arith.constant 0 : i32
      %dma_start3A_229 = tpu.memref_slice %arg7[%dma_start3A_222, %dma_start3A_228] : memref<32x128xi32, #tpu.memory_space<vmem>> -> memref<1x128xi32, #tpu.memory_space<vmem>>
      %dma_start3A_230 = tpu.memref_squeeze %dma_start3A_229 : memref<1x128xi32, #tpu.memory_space<vmem>> -> memref<128xi32, #tpu.memory_space<vmem>>
      %dma_start3A_231 = arith.constant 0 : i32
      %dma_start3A_232 = arith.constant 0 : i32
      %dma_start3A_233 = tpu.memref_slice %arg2[%dma_start3A_231, %dma_start3A_232] : memref<10000x128xf32, #tpu.memory_space<hbm>> -> memref<10000x128xf32, #tpu.memory_space<hbm>>
      tpu.enqueue_indirect_dma source(%dma_start3A_233 : memref<10000x128xf32, #tpu.memory_space<hbm>>) target(%dma_start3A_227 : memref<128x128xf32, #tpu.memory_space<vmem>>) offsets(%dma_start3A_230 : memref<128xi32, #tpu.memory_space<vmem>>) semaphore(%arg12 : memref<!tpu.dma_semaphore, #tpu.memory_space<semaphore_mem>>)
      %scan3A = arith.constant 0 : i32
      %scan3A_234 = arith.constant 4 : i32
      %scan3A_235 = arith.addi %scan3A, %scan3A_234 : i32
      %scan3A_236 = arith.constant 1 : i32
      scf.for %scan3A_250 = %scan3A to %scan3A_235 step %scan3A_236  : i32 {
        %mul3A_251 = arith.constant 2 : i32
        %mul3A_252 = arith.muli %scan3A_250, %mul3A_251 : i32
        %add3A_253 = arith.constant 0 : i32
        %add3A_254 = arith.addi %mul3A_252, %add3A_253 : i32
        %dma_wait3A_255 = arith.constant 0 : i32
        %dma_wait3A_256 = arith.constant 0 : i32
        %dma_wait3A_257 = arith.constant 0 : i32
        %dma_wait3A_258 = tpu.memref_slice %arg9[%dma_wait3A_255, %dma_wait3A_256, %dma_wait3A_257] : memref<2x128x128xf32, #tpu.memory_space<vmem>> -> memref<1x128x128xf32, #tpu.memory_space<vmem>>
        %dma_wait3A_259 = tpu.memref_squeeze %dma_wait3A_258 : memref<1x128x128xf32, #tpu.memory_space<vmem>> -> memref<128x128xf32, #tpu.memory_space<vmem>>
        %dma_wait3A_260 = arith.constant 0 : i32
        %dma_wait3A_261 = tpu.memref_slice %arg7[%add3A_254, %dma_wait3A_260] : memref<32x128xi32, #tpu.memory_space<vmem>> -> memref<1x128xi32, #tpu.memory_space<vmem>>
        %dma_wait3A_262 = tpu.memref_squeeze %dma_wait3A_261 : memref<1x128xi32, #tpu.memory_space<vmem>> -> memref<128xi32, #tpu.memory_space<vmem>>
        %dma_wait3A_263 = arith.constant 0 : i32
        %dma_wait3A_264 = arith.constant 0 : i32
        %dma_wait3A_265 = tpu.memref_slice %arg2[%dma_wait3A_263, %dma_wait3A_264] : memref<10000x128xf32, #tpu.memory_space<hbm>> -> memref<10000x128xf32, #tpu.memory_space<hbm>>
        tpu.wait_indirect_dma semaphore(%arg11 : memref<!tpu.dma_semaphore, #tpu.memory_space<semaphore_mem>>) src(%dma_wait3A_265 : memref<10000x128xf32, #tpu.memory_space<hbm>>) dst(%dma_wait3A_259 : memref<128x128xf32, #tpu.memory_space<vmem>>)
        %dma_start3A_266 = arith.constant 0 : i32
        %dma_start3A_267 = arith.constant 0 : i32
        %dma_start3A_268 = arith.constant 0 : i32
        %dma_start3A_269 = tpu.memref_slice %arg9[%dma_start3A_266, %dma_start3A_267, %dma_start3A_268] : memref<2x128x128xf32, #tpu.memory_space<vmem>> -> memref<1x128x128xf32, #tpu.memory_space<vmem>>
        %dma_start3A_270 = tpu.memref_squeeze %dma_start3A_269 : memref<1x128x128xf32, #tpu.memory_space<vmem>> -> memref<128x128xf32, #tpu.memory_space<vmem>>
        %dma_start3A_271 = arith.constant 0 : i32
        %dma_start3A_272 = tpu.memref_slice %arg8[%add3A_254, %dma_start3A_271] : memref<32x128xi32, #tpu.memory_space<vmem>> -> memref<1x128xi32, #tpu.memory_space<vmem>>
        %dma_start3A_273 = tpu.memref_squeeze %dma_start3A_272 : memref<1x128xi32, #tpu.memory_space<vmem>> -> memref<128xi32, #tpu.memory_space<vmem>>
        %dma_start3A_274 = arith.constant 0 : i32
        %dma_start3A_275 = arith.constant 0 : i32
        %dma_start3A_276 = tpu.memref_slice %arg10[%dma_start3A_274, %dma_start3A_275] : memref<10240x128xf32, #tpu.memory_space<vmem_shared>> -> memref<10240x128xf32, #tpu.memory_space<vmem_shared>>
        tpu.enqueue_indirect_dma source(%dma_start3A_270 : memref<128x128xf32, #tpu.memory_space<vmem>>) target(%dma_start3A_276 : memref<10240x128xf32, #tpu.memory_space<vmem_shared>>) offsets(%dma_start3A_273 : memref<128xi32, #tpu.memory_space<vmem>>) semaphore(%arg13 : memref<!tpu.dma_semaphore, #tpu.memory_space<semaphore_mem>>) {add = true}
        %add3A_277 = arith.constant 2 : i32
        %add3A_278 = arith.addi %add3A_254, %add3A_277 : i32
        %sub3A = arith.constant 1 : i32
        %sub3A_279 = arith.subi %add3A_278, %sub3A : i32
        %ge3A = arith.constant 1 : i32
        %ge3A_280 = arith.cmpi sge, %add3A_254, %ge3A : i32
        %convert_element_type3A_281 = arith.extui %ge3A_280 : i1 to i32
        %cond3A_282 = arith.constant 0 : i32
        %cond3A_283 = arith.cmpi ne, %convert_element_type3A_281, %cond3A_282 : i32
        scf.if %cond3A_283 {
          %dma_wait3A_333 = arith.constant 1 : i32
          %dma_wait3A_334 = arith.constant 0 : i32
          %dma_wait3A_335 = arith.constant 0 : i32
          %dma_wait3A_336 = arith.constant 0 : i32
          %dma_wait3A_337 = tpu.memref_slice %arg9[%dma_wait3A_333, %dma_wait3A_335, %dma_wait3A_336] : memref<2x128x128xf32, #tpu.memory_space<vmem>> -> memref<1x128x128xf32, #tpu.memory_space<vmem>>
          %dma_wait3A_338 = tpu.memref_squeeze %dma_wait3A_337 : memref<1x128x128xf32, #tpu.memory_space<vmem>> -> memref<128x128xf32, #tpu.memory_space<vmem>>
          %dma_wait3A_339 = arith.constant 0 : i32
          %dma_wait3A_340 = tpu.memref_slice %arg8[%dma_wait3A_334, %dma_wait3A_339] : memref<32x128xi32, #tpu.memory_space<vmem>> -> memref<1x128xi32, #tpu.memory_space<vmem>>
          %dma_wait3A_341 = tpu.memref_squeeze %dma_wait3A_340 : memref<1x128xi32, #tpu.memory_space<vmem>> -> memref<128xi32, #tpu.memory_space<vmem>>
          %dma_wait3A_342 = arith.constant 0 : i32
          %dma_wait3A_343 = arith.constant 0 : i32
          %dma_wait3A_344 = tpu.memref_slice %arg10[%dma_wait3A_342, %dma_wait3A_343] : memref<10240x128xf32, #tpu.memory_space<vmem_shared>> -> memref<10240x128xf32, #tpu.memory_space<vmem_shared>>
          tpu.wait_indirect_dma semaphore(%arg14 : memref<!tpu.dma_semaphore, #tpu.memory_space<semaphore_mem>>) src(%dma_wait3A_338 : memref<128x128xf32, #tpu.memory_space<vmem>>) dst(%dma_wait3A_344 : memref<10240x128xf32, #tpu.memory_space<vmem_shared>>)
        } else {
        }
        %ge3A_284 = arith.constant 1 : i32
        %ge3A_285 = arith.cmpi sge, %add3A_254, %ge3A_284 : i32
        %lt3A = arith.constant 8 : i32
        %lt3A_286 = arith.cmpi slt, %sub3A_279, %lt3A : i32
        %and3A = arith.andi %ge3A_285, %lt3A_286 : i1
        %convert_element_type3A_287 = arith.extui %and3A : i1 to i32
        %cond3A_288 = arith.constant 0 : i32
        %cond3A_289 = arith.cmpi ne, %convert_element_type3A_287, %cond3A_288 : i32
        scf.if %cond3A_289 {
          %dma_start3A_333 = arith.constant 1 : i32
          %dma_start3A_334 = arith.constant 0 : i32
          %dma_start3A_335 = arith.constant 0 : i32
          %dma_start3A_336 = tpu.memref_slice %arg9[%dma_start3A_333, %dma_start3A_334, %dma_start3A_335] : memref<2x128x128xf32, #tpu.memory_space<vmem>> -> memref<1x128x128xf32, #tpu.memory_space<vmem>>
          %dma_start3A_337 = tpu.memref_squeeze %dma_start3A_336 : memref<1x128x128xf32, #tpu.memory_space<vmem>> -> memref<128x128xf32, #tpu.memory_space<vmem>>
          %dma_start3A_338 = arith.constant 0 : i32
          %dma_start3A_339 = tpu.memref_slice %arg7[%sub3A_279, %dma_start3A_338] : memref<32x128xi32, #tpu.memory_space<vmem>> -> memref<1x128xi32, #tpu.memory_space<vmem>>
          %dma_start3A_340 = tpu.memref_squeeze %dma_start3A_339 : memref<1x128xi32, #tpu.memory_space<vmem>> -> memref<128xi32, #tpu.memory_space<vmem>>
          %dma_start3A_341 = arith.constant 0 : i32
          %dma_start3A_342 = arith.constant 0 : i32
          %dma_start3A_343 = tpu.memref_slice %arg2[%dma_start3A_341, %dma_start3A_342] : memref<10000x128xf32, #tpu.memory_space<hbm>> -> memref<10000x128xf32, #tpu.memory_space<hbm>>
          tpu.enqueue_indirect_dma source(%dma_start3A_343 : memref<10000x128xf32, #tpu.memory_space<hbm>>) target(%dma_start3A_337 : memref<128x128xf32, #tpu.memory_space<vmem>>) offsets(%dma_start3A_340 : memref<128xi32, #tpu.memory_space<vmem>>) semaphore(%arg12 : memref<!tpu.dma_semaphore, #tpu.memory_space<semaphore_mem>>)
        } else {
        }
        %mul3A_290 = arith.constant 2 : i32
        %mul3A_291 = arith.muli %scan3A_250, %mul3A_290 : i32
        %add3A_292 = arith.constant 1 : i32
        %add3A_293 = arith.addi %mul3A_291, %add3A_292 : i32
        %dma_wait3A_294 = arith.constant 1 : i32
        %dma_wait3A_295 = arith.constant 0 : i32
        %dma_wait3A_296 = arith.constant 0 : i32
        %dma_wait3A_297 = tpu.memref_slice %arg9[%dma_wait3A_294, %dma_wait3A_295, %dma_wait3A_296] : memref<2x128x128xf32, #tpu.memory_space<vmem>> -> memref<1x128x128xf32, #tpu.memory_space<vmem>>
        %dma_wait3A_298 = tpu.memref_squeeze %dma_wait3A_297 : memref<1x128x128xf32, #tpu.memory_space<vmem>> -> memref<128x128xf32, #tpu.memory_space<vmem>>
        %dma_wait3A_299 = arith.constant 0 : i32
        %dma_wait3A_300 = tpu.memref_slice %arg7[%add3A_293, %dma_wait3A_299] : memref<32x128xi32, #tpu.memory_space<vmem>> -> memref<1x128xi32, #tpu.memory_space<vmem>>
        %dma_wait3A_301 = tpu.memref_squeeze %dma_wait3A_300 : memref<1x128xi32, #tpu.memory_space<vmem>> -> memref<128xi32, #tpu.memory_space<vmem>>
        %dma_wait3A_302 = arith.constant 0 : i32
        %dma_wait3A_303 = arith.constant 0 : i32
        %dma_wait3A_304 = tpu.memref_slice %arg2[%dma_wait3A_302, %dma_wait3A_303] : memref<10000x128xf32, #tpu.memory_space<hbm>> -> memref<10000x128xf32, #tpu.memory_space<hbm>>
        tpu.wait_indirect_dma semaphore(%arg12 : memref<!tpu.dma_semaphore, #tpu.memory_space<semaphore_mem>>) src(%dma_wait3A_304 : memref<10000x128xf32, #tpu.memory_space<hbm>>) dst(%dma_wait3A_298 : memref<128x128xf32, #tpu.memory_space<vmem>>)
        %dma_start3A_305 = arith.constant 1 : i32
        %dma_start3A_306 = arith.constant 0 : i32
        %dma_start3A_307 = arith.constant 0 : i32
        %dma_start3A_308 = tpu.memref_slice %arg9[%dma_start3A_305, %dma_start3A_306, %dma_start3A_307] : memref<2x128x128xf32, #tpu.memory_space<vmem>> -> memref<1x128x128xf32, #tpu.memory_space<vmem>>
        %dma_start3A_309 = tpu.memref_squeeze %dma_start3A_308 : memref<1x128x128xf32, #tpu.memory_space<vmem>> -> memref<128x128xf32, #tpu.memory_space<vmem>>
        %dma_start3A_310 = arith.constant 0 : i32
        %dma_start3A_311 = tpu.memref_slice %arg8[%add3A_293, %dma_start3A_310] : memref<32x128xi32, #tpu.memory_space<vmem>> -> memref<1x128xi32, #tpu.memory_space<vmem>>
        %dma_start3A_312 = tpu.memref_squeeze %dma_start3A_311 : memref<1x128xi32, #tpu.memory_space<vmem>> -> memref<128xi32, #tpu.memory_space<vmem>>
        %dma_start3A_313 = arith.constant 0 : i32
        %dma_start3A_314 = arith.constant 0 : i32
        %dma_start3A_315 = tpu.memref_slice %arg10[%dma_start3A_313, %dma_start3A_314] : memref<10240x128xf32, #tpu.memory_space<vmem_shared>> -> memref<10240x128xf32, #tpu.memory_space<vmem_shared>>
        tpu.enqueue_indirect_dma source(%dma_start3A_309 : memref<128x128xf32, #tpu.memory_space<vmem>>) target(%dma_start3A_315 : memref<10240x128xf32, #tpu.memory_space<vmem_shared>>) offsets(%dma_start3A_312 : memref<128xi32, #tpu.memory_space<vmem>>) semaphore(%arg14 : memref<!tpu.dma_semaphore, #tpu.memory_space<semaphore_mem>>) {add = true}
        %add3A_316 = arith.constant 2 : i32
        %add3A_317 = arith.addi %add3A_293, %add3A_316 : i32
        %sub3A_318 = arith.constant 1 : i32
        %sub3A_319 = arith.subi %add3A_317, %sub3A_318 : i32
        %ge3A_320 = arith.constant 1 : i32
        %ge3A_321 = arith.cmpi sge, %add3A_293, %ge3A_320 : i32
        %convert_element_type3A_322 = arith.extui %ge3A_321 : i1 to i32
        %cond3A_323 = arith.constant 0 : i32
        %cond3A_324 = arith.cmpi ne, %convert_element_type3A_322, %cond3A_323 : i32
        scf.if %cond3A_324 {
          %dma_wait3A_333 = arith.constant 0 : i32
          %dma_wait3A_334 = arith.constant 0 : i32
          %dma_wait3A_335 = arith.constant 0 : i32
          %dma_wait3A_336 = arith.constant 0 : i32
          %dma_wait3A_337 = tpu.memref_slice %arg9[%dma_wait3A_333, %dma_wait3A_335, %dma_wait3A_336] : memref<2x128x128xf32, #tpu.memory_space<vmem>> -> memref<1x128x128xf32, #tpu.memory_space<vmem>>
          %dma_wait3A_338 = tpu.memref_squeeze %dma_wait3A_337 : memref<1x128x128xf32, #tpu.memory_space<vmem>> -> memref<128x128xf32, #tpu.memory_space<vmem>>
          %dma_wait3A_339 = arith.constant 0 : i32
          %dma_wait3A_340 = tpu.memref_slice %arg8[%dma_wait3A_334, %dma_wait3A_339] : memref<32x128xi32, #tpu.memory_space<vmem>> -> memref<1x128xi32, #tpu.memory_space<vmem>>
          %dma_wait3A_341 = tpu.memref_squeeze %dma_wait3A_340 : memref<1x128xi32, #tpu.memory_space<vmem>> -> memref<128xi32, #tpu.memory_space<vmem>>
          %dma_wait3A_342 = arith.constant 0 : i32
          %dma_wait3A_343 = arith.constant 0 : i32
          %dma_wait3A_344 = tpu.memref_slice %arg10[%dma_wait3A_342, %dma_wait3A_343] : memref<10240x128xf32, #tpu.memory_space<vmem_shared>> -> memref<10240x128xf32, #tpu.memory_space<vmem_shared>>
          tpu.wait_indirect_dma semaphore(%arg13 : memref<!tpu.dma_semaphore, #tpu.memory_space<semaphore_mem>>) src(%dma_wait3A_338 : memref<128x128xf32, #tpu.memory_space<vmem>>) dst(%dma_wait3A_344 : memref<10240x128xf32, #tpu.memory_space<vmem_shared>>)
        } else {
        }
        %ge3A_325 = arith.constant 1 : i32
        %ge3A_326 = arith.cmpi sge, %add3A_293, %ge3A_325 : i32
        %lt3A_327 = arith.constant 8 : i32
        %lt3A_328 = arith.cmpi slt, %sub3A_319, %lt3A_327 : i32
        %and3A_329 = arith.andi %ge3A_326, %lt3A_328 : i1
        %convert_element_type3A_330 = arith.extui %and3A_329 : i1 to i32
        %cond3A_331 = arith.constant 0 : i32
        %cond3A_332 = arith.cmpi ne, %convert_element_type3A_330, %cond3A_331 : i32
        scf.if %cond3A_332 {
          %dma_start3A_333 = arith.constant 0 : i32
          %dma_start3A_334 = arith.constant 0 : i32
          %dma_start3A_335 = arith.constant 0 : i32
          %dma_start3A_336 = tpu.memref_slice %arg9[%dma_start3A_333, %dma_start3A_334, %dma_start3A_335] : memref<2x128x128xf32, #tpu.memory_space<vmem>> -> memref<1x128x128xf32, #tpu.memory_space<vmem>>
          %dma_start3A_337 = tpu.memref_squeeze %dma_start3A_336 : memref<1x128x128xf32, #tpu.memory_space<vmem>> -> memref<128x128xf32, #tpu.memory_space<vmem>>
          %dma_start3A_338 = arith.constant 0 : i32
          %dma_start3A_339 = tpu.memref_slice %arg7[%sub3A_319, %dma_start3A_338] : memref<32x128xi32, #tpu.memory_space<vmem>> -> memref<1x128xi32, #tpu.memory_space<vmem>>
          %dma_start3A_340 = tpu.memref_squeeze %dma_start3A_339 : memref<1x128xi32, #tpu.memory_space<vmem>> -> memref<128xi32, #tpu.memory_space<vmem>>
          %dma_start3A_341 = arith.constant 0 : i32
          %dma_start3A_342 = arith.constant 0 : i32
          %dma_start3A_343 = tpu.memref_slice %arg2[%dma_start3A_341, %dma_start3A_342] : memref<10000x128xf32, #tpu.memory_space<hbm>> -> memref<10000x128xf32, #tpu.memory_space<hbm>>
          tpu.enqueue_indirect_dma source(%dma_start3A_343 : memref<10000x128xf32, #tpu.memory_space<hbm>>) target(%dma_start3A_337 : memref<128x128xf32, #tpu.memory_space<vmem>>) offsets(%dma_start3A_340 : memref<128xi32, #tpu.memory_space<vmem>>) semaphore(%arg11 : memref<!tpu.dma_semaphore, #tpu.memory_space<semaphore_mem>>)
        } else {
        }
      }
      %scan3A_237 = arith.constant 4 : i32
      %dma_wait3A_238 = arith.constant 1 : i32
      %dma_wait3A_239 = arith.constant 0 : i32
      %dma_wait3A_240 = arith.constant 0 : i32
      %dma_wait3A_241 = arith.constant 0 : i32
      %dma_wait3A_242 = tpu.memref_slice %arg9[%dma_wait3A_238, %dma_wait3A_240, %dma_wait3A_241] : memref<2x128x128xf32, #tpu.memory_space<vmem>> -> memref<1x128x128xf32, #tpu.memory_space<vmem>>
      %dma_wait3A_243 = tpu.memref_squeeze %dma_wait3A_242 : memref<1x128x128xf32, #tpu.memory_space<vmem>> -> memref<128x128xf32, #tpu.memory_space<vmem>>
      %dma_wait3A_244 = arith.constant 0 : i32
      %dma_wait3A_245 = tpu.memref_slice %arg8[%dma_wait3A_239, %dma_wait3A_244] : memref<32x128xi32, #tpu.memory_space<vmem>> -> memref<1x128xi32, #tpu.memory_space<vmem>>
      %dma_wait3A_246 = tpu.memref_squeeze %dma_wait3A_245 : memref<1x128xi32, #tpu.memory_space<vmem>> -> memref<128xi32, #tpu.memory_space<vmem>>
      %dma_wait3A_247 = arith.constant 0 : i32
      %dma_wait3A_248 = arith.constant 0 : i32
      %dma_wait3A_249 = tpu.memref_slice %arg10[%dma_wait3A_247, %dma_wait3A_248] : memref<10240x128xf32, #tpu.memory_space<vmem_shared>> -> memref<10240x128xf32, #tpu.memory_space<vmem_shared>>
      tpu.wait_indirect_dma semaphore(%arg14 : memref<!tpu.dma_semaphore, #tpu.memory_space<semaphore_mem>>) src(%dma_wait3A_243 : memref<128x128xf32, #tpu.memory_space<vmem>>) dst(%dma_wait3A_249 : memref<10240x128xf32, #tpu.memory_space<vmem_shared>>)
    } else {
    }
    %barrier3A_30 = arith.constant 0 : index
    tpu.barrier barrier_id(%barrier3A_30)
    %mul3A_31 = arith.constant 640 : i32
    %mul3A_32 = arith.muli %arg1, %mul3A_31 : i32
    %add3A_33 = arith.constant 0 : i32
    %add3A_34 = arith.addi %mul3A_32, %add3A_33 : i32
    %run_scoped3A_35 = arith.constant 0 : i32
    "tpu.region"() ({
      %run_scoped3A_204 = tpu.sem_alloc : memref<!tpu.dma_semaphore, #tpu.memory_space<semaphore_mem>>
      %dma_start3A_205 = arith.constant 0 : i32
      %dma_start3A_206 = arith.constant 0 : i32
      %dma_start3A_207 = tpu.memref_slice %arg9[%run_scoped3A_35, %dma_start3A_205, %dma_start3A_206] : memref<2x128x128xf32, #tpu.memory_space<vmem>> -> memref<1x128x128xf32, #tpu.memory_space<vmem>>
      %dma_start3A_208 = tpu.memref_squeeze %dma_start3A_207 : memref<1x128x128xf32, #tpu.memory_space<vmem>> -> memref<128x128xf32, #tpu.memory_space<vmem>>
      %dma_start3A_209 = arith.constant 0 : i32
      %dma_start3A_210 = tpu.memref_slice %arg10[%add3A_34, %dma_start3A_209] : memref<10240x128xf32, #tpu.memory_space<vmem_shared>> -> memref<128x128xf32, #tpu.memory_space<vmem_shared>>
      %dma_start3A_211 = arith.constant 0 : i32
      %dma_start3A_212 = arith.constant 0 : i32
      %dma_start3A_213 = tpu.memref_slice %arg9[%run_scoped3A_35, %dma_start3A_211, %dma_start3A_212] : memref<2x128x128xf32, #tpu.memory_space<vmem>> -> memref<1x128x128xf32, #tpu.memory_space<vmem>>
      %dma_start3A_214 = tpu.memref_squeeze %dma_start3A_213 : memref<1x128x128xf32, #tpu.memory_space<vmem>> -> memref<128x128xf32, #tpu.memory_space<vmem>>
      %dma_start3A_215 = arith.constant 0 : i32
      %dma_start3A_216 = tpu.memref_slice %arg10[%add3A_34, %dma_start3A_215] : memref<10240x128xf32, #tpu.memory_space<vmem_shared>> -> memref<128x128xf32, #tpu.memory_space<vmem_shared>>
      tpu.enqueue_dma source(%dma_start3A_216 : memref<128x128xf32, #tpu.memory_space<vmem_shared>>) target(%dma_start3A_214 : memref<128x128xf32, #tpu.memory_space<vmem>>) target_semaphore(%run_scoped3A_204 : memref<!tpu.dma_semaphore, #tpu.memory_space<semaphore_mem>>)
      %dma_wait3A_217 = arith.constant 0 : i32
      %dma_wait3A_218 = arith.constant 0 : i32
      %dma_wait3A_219 = tpu.memref_slice %arg9[%run_scoped3A_35, %dma_wait3A_217, %dma_wait3A_218] : memref<2x128x128xf32, #tpu.memory_space<vmem>> -> memref<1x128x128xf32, #tpu.memory_space<vmem>>
      %dma_wait3A_220 = tpu.memref_squeeze %dma_wait3A_219 : memref<1x128x128xf32, #tpu.memory_space<vmem>> -> memref<128x128xf32, #tpu.memory_space<vmem>>
      %dma_wait3A_221 = arith.constant 0 : i32
      %dma_wait3A_222 = tpu.memref_slice %arg10[%add3A_34, %dma_wait3A_221] : memref<10240x128xf32, #tpu.memory_space<vmem_shared>> -> memref<128x128xf32, #tpu.memory_space<vmem_shared>>
      %dma_wait3A_223 = arith.constant 0 : i32
      %dma_wait3A_224 = arith.constant 0 : i32
      %dma_wait3A_225 = tpu.memref_slice %arg9[%run_scoped3A_35, %dma_wait3A_223, %dma_wait3A_224] : memref<2x128x128xf32, #tpu.memory_space<vmem>> -> memref<1x128x128xf32, #tpu.memory_space<vmem>>
      %dma_wait3A_226 = tpu.memref_squeeze %dma_wait3A_225 : memref<1x128x128xf32, #tpu.memory_space<vmem>> -> memref<128x128xf32, #tpu.memory_space<vmem>>
      %dma_wait3A_227 = arith.constant 0 : i32
      %dma_wait3A_228 = tpu.memref_slice %arg10[%add3A_34, %dma_wait3A_227] : memref<10240x128xf32, #tpu.memory_space<vmem_shared>> -> memref<128x128xf32, #tpu.memory_space<vmem_shared>>
      tpu.wait_dma2 semaphore(%run_scoped3A_204 : memref<!tpu.dma_semaphore, #tpu.memory_space<semaphore_mem>>) src(%dma_wait3A_228 : memref<128x128xf32, #tpu.memory_space<vmem_shared>>) dst(%dma_wait3A_226 : memref<128x128xf32, #tpu.memory_space<vmem>>)
      tpu.yield
    }) : () -> ()
    %dma_start3A = arith.constant 0 : i32
    %dma_start3A_36 = arith.constant 0 : i32
    %dma_start3A_37 = arith.constant 0 : i32
    %dma_start3A_38 = tpu.memref_slice %arg9[%dma_start3A, %dma_start3A_36, %dma_start3A_37] : memref<2x128x128xf32, #tpu.memory_space<vmem>> -> memref<1x128x128xf32, #tpu.memory_space<vmem>>
    %dma_start3A_39 = tpu.memref_squeeze %dma_start3A_38 : memref<1x128x128xf32, #tpu.memory_space<vmem>> -> memref<128x128xf32, #tpu.memory_space<vmem>>
    %dma_start3A_40 = arith.constant 0 : i32
    %dma_start3A_41 = tpu.memref_slice %arg6[%arg0, %add3A_34, %dma_start3A_40] : memref<2x10240x128xf32, #tpu.memory_space<hbm>> -> memref<1x128x128xf32, #tpu.memory_space<hbm>>
    %dma_start3A_42 = tpu.memref_squeeze %dma_start3A_41 : memref<1x128x128xf32, #tpu.memory_space<hbm>> -> memref<128x128xf32, #tpu.memory_space<hbm>>
    %dma_start3A_43 = arith.constant 0 : i32
    %dma_start3A_44 = tpu.memref_slice %arg6[%arg0, %add3A_34, %dma_start3A_43] : memref<2x10240x128xf32, #tpu.memory_space<hbm>> -> memref<1x128x128xf32, #tpu.memory_space<hbm>>
    %dma_start3A_45 = tpu.memref_squeeze %dma_start3A_44 : memref<1x128x128xf32, #tpu.memory_space<hbm>> -> memref<128x128xf32, #tpu.memory_space<hbm>>
    %dma_start3A_46 = arith.constant 0 : i32
    %dma_start3A_47 = arith.constant 0 : i32
    %dma_start3A_48 = tpu.memref_slice %arg9[%dma_start3A, %dma_start3A_46, %dma_start3A_47] : memref<2x128x128xf32, #tpu.memory_space<vmem>> -> memref<1x128x128xf32, #tpu.memory_space<vmem>>
    %dma_start3A_49 = tpu.memref_squeeze %dma_start3A_48 : memref<1x128x128xf32, #tpu.memory_space<vmem>> -> memref<128x128xf32, #tpu.memory_space<vmem>>
    tpu.enqueue_dma source(%dma_start3A_49 : memref<128x128xf32, #tpu.memory_space<vmem>>) target(%dma_start3A_45 : memref<128x128xf32, #tpu.memory_space<hbm>>) target_semaphore(%arg11 : memref<!tpu.dma_semaphore, #tpu.memory_space<semaphore_mem>>)
    %mul3A_50 = arith.constant 640 : i32
    %mul3A_51 = arith.muli %arg1, %mul3A_50 : i32
    %add3A_52 = arith.constant 128 : i32
    %add3A_53 = arith.addi %mul3A_51, %add3A_52 : i32
    %run_scoped3A_54 = arith.constant 1 : i32
    "tpu.region"() ({
      %run_scoped3A_204 = tpu.sem_alloc : memref<!tpu.dma_semaphore, #tpu.memory_space<semaphore_mem>>
      %dma_start3A_205 = arith.constant 0 : i32
      %dma_start3A_206 = arith.constant 0 : i32
      %dma_start3A_207 = tpu.memref_slice %arg9[%run_scoped3A_54, %dma_start3A_205, %dma_start3A_206] : memref<2x128x128xf32, #tpu.memory_space<vmem>> -> memref<1x128x128xf32, #tpu.memory_space<vmem>>
      %dma_start3A_208 = tpu.memref_squeeze %dma_start3A_207 : memref<1x128x128xf32, #tpu.memory_space<vmem>> -> memref<128x128xf32, #tpu.memory_space<vmem>>
      %dma_start3A_209 = arith.constant 0 : i32
      %dma_start3A_210 = tpu.memref_slice %arg10[%add3A_53, %dma_start3A_209] : memref<10240x128xf32, #tpu.memory_space<vmem_shared>> -> memref<128x128xf32, #tpu.memory_space<vmem_shared>>
      %dma_start3A_211 = arith.constant 0 : i32
      %dma_start3A_212 = arith.constant 0 : i32
      %dma_start3A_213 = tpu.memref_slice %arg9[%run_scoped3A_54, %dma_start3A_211, %dma_start3A_212] : memref<2x128x128xf32, #tpu.memory_space<vmem>> -> memref<1x128x128xf32, #tpu.memory_space<vmem>>
      %dma_start3A_214 = tpu.memref_squeeze %dma_start3A_213 : memref<1x128x128xf32, #tpu.memory_space<vmem>> -> memref<128x128xf32, #tpu.memory_space<vmem>>
      %dma_start3A_215 = arith.constant 0 : i32
      %dma_start3A_216 = tpu.memref_slice %arg10[%add3A_53, %dma_start3A_215] : memref<10240x128xf32, #tpu.memory_space<vmem_shared>> -> memref<128x128xf32, #tpu.memory_space<vmem_shared>>
      tpu.enqueue_dma source(%dma_start3A_216 : memref<128x128xf32, #tpu.memory_space<vmem_shared>>) target(%dma_start3A_214 : memref<128x128xf32, #tpu.memory_space<vmem>>) target_semaphore(%run_scoped3A_204 : memref<!tpu.dma_semaphore, #tpu.memory_space<semaphore_mem>>)
      %dma_wait3A_217 = arith.constant 0 : i32
      %dma_wait3A_218 = arith.constant 0 : i32
      %dma_wait3A_219 = tpu.memref_slice %arg9[%run_scoped3A_54, %dma_wait3A_217, %dma_wait3A_218] : memref<2x128x128xf32, #tpu.memory_space<vmem>> -> memref<1x128x128xf32, #tpu.memory_space<vmem>>
      %dma_wait3A_220 = tpu.memref_squeeze %dma_wait3A_219 : memref<1x128x128xf32, #tpu.memory_space<vmem>> -> memref<128x128xf32, #tpu.memory_space<vmem>>
      %dma_wait3A_221 = arith.constant 0 : i32
      %dma_wait3A_222 = tpu.memref_slice %arg10[%add3A_53, %dma_wait3A_221] : memref<10240x128xf32, #tpu.memory_space<vmem_shared>> -> memref<128x128xf32, #tpu.memory_space<vmem_shared>>
      %dma_wait3A_223 = arith.constant 0 : i32
      %dma_wait3A_224 = arith.constant 0 : i32
      %dma_wait3A_225 = tpu.memref_slice %arg9[%run_scoped3A_54, %dma_wait3A_223, %dma_wait3A_224] : memref<2x128x128xf32, #tpu.memory_space<vmem>> -> memref<1x128x128xf32, #tpu.memory_space<vmem>>
      %dma_wait3A_226 = tpu.memref_squeeze %dma_wait3A_225 : memref<1x128x128xf32, #tpu.memory_space<vmem>> -> memref<128x128xf32, #tpu.memory_space<vmem>>
      %dma_wait3A_227 = arith.constant 0 : i32
      %dma_wait3A_228 = tpu.memref_slice %arg10[%add3A_53, %dma_wait3A_227] : memref<10240x128xf32, #tpu.memory_space<vmem_shared>> -> memref<128x128xf32, #tpu.memory_space<vmem_shared>>
      tpu.wait_dma2 semaphore(%run_scoped3A_204 : memref<!tpu.dma_semaphore, #tpu.memory_space<semaphore_mem>>) src(%dma_wait3A_228 : memref<128x128xf32, #tpu.memory_space<vmem_shared>>) dst(%dma_wait3A_226 : memref<128x128xf32, #tpu.memory_space<vmem>>)
      tpu.yield
    }) : () -> ()
    %dma_start3A_55 = arith.constant 1 : i32
    %dma_start3A_56 = arith.constant 0 : i32
    %dma_start3A_57 = arith.constant 0 : i32
    %dma_start3A_58 = tpu.memref_slice %arg9[%dma_start3A_55, %dma_start3A_56, %dma_start3A_57] : memref<2x128x128xf32, #tpu.memory_space<vmem>> -> memref<1x128x128xf32, #tpu.memory_space<vmem>>
    %dma_start3A_59 = tpu.memref_squeeze %dma_start3A_58 : memref<1x128x128xf32, #tpu.memory_space<vmem>> -> memref<128x128xf32, #tpu.memory_space<vmem>>
    %dma_start3A_60 = arith.constant 0 : i32
    %dma_start3A_61 = tpu.memref_slice %arg6[%arg0, %add3A_53, %dma_start3A_60] : memref<2x10240x128xf32, #tpu.memory_space<hbm>> -> memref<1x128x128xf32, #tpu.memory_space<hbm>>
    %dma_start3A_62 = tpu.memref_squeeze %dma_start3A_61 : memref<1x128x128xf32, #tpu.memory_space<hbm>> -> memref<128x128xf32, #tpu.memory_space<hbm>>
    %dma_start3A_63 = arith.constant 0 : i32
    %dma_start3A_64 = tpu.memref_slice %arg6[%arg0, %add3A_53, %dma_start3A_63] : memref<2x10240x128xf32, #tpu.memory_space<hbm>> -> memref<1x128x128xf32, #tpu.memory_space<hbm>>
    %dma_start3A_65 = tpu.memref_squeeze %dma_start3A_64 : memref<1x128x128xf32, #tpu.memory_space<hbm>> -> memref<128x128xf32, #tpu.memory_space<hbm>>
    %dma_start3A_66 = arith.constant 0 : i32
    %dma_start3A_67 = arith.constant 0 : i32
    %dma_start3A_68 = tpu.memref_slice %arg9[%dma_start3A_55, %dma_start3A_66, %dma_start3A_67] : memref<2x128x128xf32, #tpu.memory_space<vmem>> -> memref<1x128x128xf32, #tpu.memory_space<vmem>>
    %dma_start3A_69 = tpu.memref_squeeze %dma_start3A_68 : memref<1x128x128xf32, #tpu.memory_space<vmem>> -> memref<128x128xf32, #tpu.memory_space<vmem>>
    tpu.enqueue_dma source(%dma_start3A_69 : memref<128x128xf32, #tpu.memory_space<vmem>>) target(%dma_start3A_65 : memref<128x128xf32, #tpu.memory_space<hbm>>) target_semaphore(%arg12 : memref<!tpu.dma_semaphore, #tpu.memory_space<semaphore_mem>>)
    %mul3A_70 = arith.constant 640 : i32
    %mul3A_71 = arith.muli %arg1, %mul3A_70 : i32
    %add3A_72 = arith.constant 256 : i32
    %add3A_73 = arith.addi %mul3A_71, %add3A_72 : i32
    %dma_wait3A = arith.constant 0 : i32
    %dma_wait3A_74 = arith.constant 0 : i32
    %dma_wait3A_75 = arith.constant 0 : i32
    %dma_wait3A_76 = tpu.memref_slice %arg9[%dma_wait3A, %dma_wait3A_74, %dma_wait3A_75] : memref<2x128x128xf32, #tpu.memory_space<vmem>> -> memref<1x128x128xf32, #tpu.memory_space<vmem>>
    %dma_wait3A_77 = tpu.memref_squeeze %dma_wait3A_76 : memref<1x128x128xf32, #tpu.memory_space<vmem>> -> memref<128x128xf32, #tpu.memory_space<vmem>>
    %dma_wait3A_78 = arith.constant 0 : i32
    %dma_wait3A_79 = tpu.memref_slice %arg6[%arg0, %add3A_34, %dma_wait3A_78] : memref<2x10240x128xf32, #tpu.memory_space<hbm>> -> memref<1x128x128xf32, #tpu.memory_space<hbm>>
    %dma_wait3A_80 = tpu.memref_squeeze %dma_wait3A_79 : memref<1x128x128xf32, #tpu.memory_space<hbm>> -> memref<128x128xf32, #tpu.memory_space<hbm>>
    %dma_wait3A_81 = arith.constant 0 : i32
    %dma_wait3A_82 = tpu.memref_slice %arg6[%arg0, %add3A_34, %dma_wait3A_81] : memref<2x10240x128xf32, #tpu.memory_space<hbm>> -> memref<1x128x128xf32, #tpu.memory_space<hbm>>
    %dma_wait3A_83 = tpu.memref_squeeze %dma_wait3A_82 : memref<1x128x128xf32, #tpu.memory_space<hbm>> -> memref<128x128xf32, #tpu.memory_space<hbm>>
    %dma_wait3A_84 = arith.constant 0 : i32
    %dma_wait3A_85 = arith.constant 0 : i32
    %dma_wait3A_86 = tpu.memref_slice %arg9[%dma_wait3A, %dma_wait3A_84, %dma_wait3A_85] : memref<2x128x128xf32, #tpu.memory_space<vmem>> -> memref<1x128x128xf32, #tpu.memory_space<vmem>>
    %dma_wait3A_87 = tpu.memref_squeeze %dma_wait3A_86 : memref<1x128x128xf32, #tpu.memory_space<vmem>> -> memref<128x128xf32, #tpu.memory_space<vmem>>
    tpu.wait_dma2 semaphore(%arg11 : memref<!tpu.dma_semaphore, #tpu.memory_space<semaphore_mem>>) src(%dma_wait3A_87 : memref<128x128xf32, #tpu.memory_space<vmem>>) dst(%dma_wait3A_83 : memref<128x128xf32, #tpu.memory_space<hbm>>)
    %run_scoped3A_88 = arith.constant 0 : i32
    "tpu.region"() ({
      %run_scoped3A_204 = tpu.sem_alloc : memref<!tpu.dma_semaphore, #tpu.memory_space<semaphore_mem>>
      %dma_start3A_205 = arith.constant 0 : i32
      %dma_start3A_206 = arith.constant 0 : i32
      %dma_start3A_207 = tpu.memref_slice %arg9[%run_scoped3A_88, %dma_start3A_205, %dma_start3A_206] : memref<2x128x128xf32, #tpu.memory_space<vmem>> -> memref<1x128x128xf32, #tpu.memory_space<vmem>>
      %dma_start3A_208 = tpu.memref_squeeze %dma_start3A_207 : memref<1x128x128xf32, #tpu.memory_space<vmem>> -> memref<128x128xf32, #tpu.memory_space<vmem>>
      %dma_start3A_209 = arith.constant 0 : i32
      %dma_start3A_210 = tpu.memref_slice %arg10[%add3A_73, %dma_start3A_209] : memref<10240x128xf32, #tpu.memory_space<vmem_shared>> -> memref<128x128xf32, #tpu.memory_space<vmem_shared>>
      %dma_start3A_211 = arith.constant 0 : i32
      %dma_start3A_212 = arith.constant 0 : i32
      %dma_start3A_213 = tpu.memref_slice %arg9[%run_scoped3A_88, %dma_start3A_211, %dma_start3A_212] : memref<2x128x128xf32, #tpu.memory_space<vmem>> -> memref<1x128x128xf32, #tpu.memory_space<vmem>>
      %dma_start3A_214 = tpu.memref_squeeze %dma_start3A_213 : memref<1x128x128xf32, #tpu.memory_space<vmem>> -> memref<128x128xf32, #tpu.memory_space<vmem>>
      %dma_start3A_215 = arith.constant 0 : i32
      %dma_start3A_216 = tpu.memref_slice %arg10[%add3A_73, %dma_start3A_215] : memref<10240x128xf32, #tpu.memory_space<vmem_shared>> -> memref<128x128xf32, #tpu.memory_space<vmem_shared>>
      tpu.enqueue_dma source(%dma_start3A_216 : memref<128x128xf32, #tpu.memory_space<vmem_shared>>) target(%dma_start3A_214 : memref<128x128xf32, #tpu.memory_space<vmem>>) target_semaphore(%run_scoped3A_204 : memref<!tpu.dma_semaphore, #tpu.memory_space<semaphore_mem>>)
      %dma_wait3A_217 = arith.constant 0 : i32
      %dma_wait3A_218 = arith.constant 0 : i32
      %dma_wait3A_219 = tpu.memref_slice %arg9[%run_scoped3A_88, %dma_wait3A_217, %dma_wait3A_218] : memref<2x128x128xf32, #tpu.memory_space<vmem>> -> memref<1x128x128xf32, #tpu.memory_space<vmem>>
      %dma_wait3A_220 = tpu.memref_squeeze %dma_wait3A_219 : memref<1x128x128xf32, #tpu.memory_space<vmem>> -> memref<128x128xf32, #tpu.memory_space<vmem>>
      %dma_wait3A_221 = arith.constant 0 : i32
      %dma_wait3A_222 = tpu.memref_slice %arg10[%add3A_73, %dma_wait3A_221] : memref<10240x128xf32, #tpu.memory_space<vmem_shared>> -> memref<128x128xf32, #tpu.memory_space<vmem_shared>>
      %dma_wait3A_223 = arith.constant 0 : i32
      %dma_wait3A_224 = arith.constant 0 : i32
      %dma_wait3A_225 = tpu.memref_slice %arg9[%run_scoped3A_88, %dma_wait3A_223, %dma_wait3A_224] : memref<2x128x128xf32, #tpu.memory_space<vmem>> -> memref<1x128x128xf32, #tpu.memory_space<vmem>>
      %dma_wait3A_226 = tpu.memref_squeeze %dma_wait3A_225 : memref<1x128x128xf32, #tpu.memory_space<vmem>> -> memref<128x128xf32, #tpu.memory_space<vmem>>
      %dma_wait3A_227 = arith.constant 0 : i32
      %dma_wait3A_228 = tpu.memref_slice %arg10[%add3A_73, %dma_wait3A_227] : memref<10240x128xf32, #tpu.memory_space<vmem_shared>> -> memref<128x128xf32, #tpu.memory_space<vmem_shared>>
      tpu.wait_dma2 semaphore(%run_scoped3A_204 : memref<!tpu.dma_semaphore, #tpu.memory_space<semaphore_mem>>) src(%dma_wait3A_228 : memref<128x128xf32, #tpu.memory_space<vmem_shared>>) dst(%dma_wait3A_226 : memref<128x128xf32, #tpu.memory_space<vmem>>)
      tpu.yield
    }) : () -> ()
    %dma_start3A_89 = arith.constant 0 : i32
    %dma_start3A_90 = arith.constant 0 : i32
    %dma_start3A_91 = arith.constant 0 : i32
    %dma_start3A_92 = tpu.memref_slice %arg9[%dma_start3A_89, %dma_start3A_90, %dma_start3A_91] : memref<2x128x128xf32, #tpu.memory_space<vmem>> -> memref<1x128x128xf32, #tpu.memory_space<vmem>>
    %dma_start3A_93 = tpu.memref_squeeze %dma_start3A_92 : memref<1x128x128xf32, #tpu.memory_space<vmem>> -> memref<128x128xf32, #tpu.memory_space<vmem>>
    %dma_start3A_94 = arith.constant 0 : i32
    %dma_start3A_95 = tpu.memref_slice %arg6[%arg0, %add3A_73, %dma_start3A_94] : memref<2x10240x128xf32, #tpu.memory_space<hbm>> -> memref<1x128x128xf32, #tpu.memory_space<hbm>>
    %dma_start3A_96 = tpu.memref_squeeze %dma_start3A_95 : memref<1x128x128xf32, #tpu.memory_space<hbm>> -> memref<128x128xf32, #tpu.memory_space<hbm>>
    %dma_start3A_97 = arith.constant 0 : i32
    %dma_start3A_98 = tpu.memref_slice %arg6[%arg0, %add3A_73, %dma_start3A_97] : memref<2x10240x128xf32, #tpu.memory_space<hbm>> -> memref<1x128x128xf32, #tpu.memory_space<hbm>>
    %dma_start3A_99 = tpu.memref_squeeze %dma_start3A_98 : memref<1x128x128xf32, #tpu.memory_space<hbm>> -> memref<128x128xf32, #tpu.memory_space<hbm>>
    %dma_start3A_100 = arith.constant 0 : i32
    %dma_start3A_101 = arith.constant 0 : i32
    %dma_start3A_102 = tpu.memref_slice %arg9[%dma_start3A_89, %dma_start3A_100, %dma_start3A_101] : memref<2x128x128xf32, #tpu.memory_space<vmem>> -> memref<1x128x128xf32, #tpu.memory_space<vmem>>
    %dma_start3A_103 = tpu.memref_squeeze %dma_start3A_102 : memref<1x128x128xf32, #tpu.memory_space<vmem>> -> memref<128x128xf32, #tpu.memory_space<vmem>>
    tpu.enqueue_dma source(%dma_start3A_103 : memref<128x128xf32, #tpu.memory_space<vmem>>) target(%dma_start3A_99 : memref<128x128xf32, #tpu.memory_space<hbm>>) target_semaphore(%arg11 : memref<!tpu.dma_semaphore, #tpu.memory_space<semaphore_mem>>)
    %mul3A_104 = arith.constant 640 : i32
    %mul3A_105 = arith.muli %arg1, %mul3A_104 : i32
    %add3A_106 = arith.constant 384 : i32
    %add3A_107 = arith.addi %mul3A_105, %add3A_106 : i32
    %dma_wait3A_108 = arith.constant 1 : i32
    %dma_wait3A_109 = arith.constant 0 : i32
    %dma_wait3A_110 = arith.constant 0 : i32
    %dma_wait3A_111 = tpu.memref_slice %arg9[%dma_wait3A_108, %dma_wait3A_109, %dma_wait3A_110] : memref<2x128x128xf32, #tpu.memory_space<vmem>> -> memref<1x128x128xf32, #tpu.memory_space<vmem>>
    %dma_wait3A_112 = tpu.memref_squeeze %dma_wait3A_111 : memref<1x128x128xf32, #tpu.memory_space<vmem>> -> memref<128x128xf32, #tpu.memory_space<vmem>>
    %dma_wait3A_113 = arith.constant 0 : i32
    %dma_wait3A_114 = tpu.memref_slice %arg6[%arg0, %add3A_53, %dma_wait3A_113] : memref<2x10240x128xf32, #tpu.memory_space<hbm>> -> memref<1x128x128xf32, #tpu.memory_space<hbm>>
    %dma_wait3A_115 = tpu.memref_squeeze %dma_wait3A_114 : memref<1x128x128xf32, #tpu.memory_space<hbm>> -> memref<128x128xf32, #tpu.memory_space<hbm>>
    %dma_wait3A_116 = arith.constant 0 : i32
    %dma_wait3A_117 = tpu.memref_slice %arg6[%arg0, %add3A_53, %dma_wait3A_116] : memref<2x10240x128xf32, #tpu.memory_space<hbm>> -> memref<1x128x128xf32, #tpu.memory_space<hbm>>
    %dma_wait3A_118 = tpu.memref_squeeze %dma_wait3A_117 : memref<1x128x128xf32, #tpu.memory_space<hbm>> -> memref<128x128xf32, #tpu.memory_space<hbm>>
    %dma_wait3A_119 = arith.constant 0 : i32
    %dma_wait3A_120 = arith.constant 0 : i32
    %dma_wait3A_121 = tpu.memref_slice %arg9[%dma_wait3A_108, %dma_wait3A_119, %dma_wait3A_120] : memref<2x128x128xf32, #tpu.memory_space<vmem>> -> memref<1x128x128xf32, #tpu.memory_space<vmem>>
    %dma_wait3A_122 = tpu.memref_squeeze %dma_wait3A_121 : memref<1x128x128xf32, #tpu.memory_space<vmem>> -> memref<128x128xf32, #tpu.memory_space<vmem>>
    tpu.wait_dma2 semaphore(%arg12 : memref<!tpu.dma_semaphore, #tpu.memory_space<semaphore_mem>>) src(%dma_wait3A_122 : memref<128x128xf32, #tpu.memory_space<vmem>>) dst(%dma_wait3A_118 : memref<128x128xf32, #tpu.memory_space<hbm>>)
    %run_scoped3A_123 = arith.constant 1 : i32
    "tpu.region"() ({
      %run_scoped3A_204 = tpu.sem_alloc : memref<!tpu.dma_semaphore, #tpu.memory_space<semaphore_mem>>
      %dma_start3A_205 = arith.constant 0 : i32
      %dma_start3A_206 = arith.constant 0 : i32
      %dma_start3A_207 = tpu.memref_slice %arg9[%run_scoped3A_123, %dma_start3A_205, %dma_start3A_206] : memref<2x128x128xf32, #tpu.memory_space<vmem>> -> memref<1x128x128xf32, #tpu.memory_space<vmem>>
      %dma_start3A_208 = tpu.memref_squeeze %dma_start3A_207 : memref<1x128x128xf32, #tpu.memory_space<vmem>> -> memref<128x128xf32, #tpu.memory_space<vmem>>
      %dma_start3A_209 = arith.constant 0 : i32
      %dma_start3A_210 = tpu.memref_slice %arg10[%add3A_107, %dma_start3A_209] : memref<10240x128xf32, #tpu.memory_space<vmem_shared>> -> memref<128x128xf32, #tpu.memory_space<vmem_shared>>
      %dma_start3A_211 = arith.constant 0 : i32
      %dma_start3A_212 = arith.constant 0 : i32
      %dma_start3A_213 = tpu.memref_slice %arg9[%run_scoped3A_123, %dma_start3A_211, %dma_start3A_212] : memref<2x128x128xf32, #tpu.memory_space<vmem>> -> memref<1x128x128xf32, #tpu.memory_space<vmem>>
      %dma_start3A_214 = tpu.memref_squeeze %dma_start3A_213 : memref<1x128x128xf32, #tpu.memory_space<vmem>> -> memref<128x128xf32, #tpu.memory_space<vmem>>
      %dma_start3A_215 = arith.constant 0 : i32
      %dma_start3A_216 = tpu.memref_slice %arg10[%add3A_107, %dma_start3A_215] : memref<10240x128xf32, #tpu.memory_space<vmem_shared>> -> memref<128x128xf32, #tpu.memory_space<vmem_shared>>
      tpu.enqueue_dma source(%dma_start3A_216 : memref<128x128xf32, #tpu.memory_space<vmem_shared>>) target(%dma_start3A_214 : memref<128x128xf32, #tpu.memory_space<vmem>>) target_semaphore(%run_scoped3A_204 : memref<!tpu.dma_semaphore, #tpu.memory_space<semaphore_mem>>)
      %dma_wait3A_217 = arith.constant 0 : i32
      %dma_wait3A_218 = arith.constant 0 : i32
      %dma_wait3A_219 = tpu.memref_slice %arg9[%run_scoped3A_123, %dma_wait3A_217, %dma_wait3A_218] : memref<2x128x128xf32, #tpu.memory_space<vmem>> -> memref<1x128x128xf32, #tpu.memory_space<vmem>>
      %dma_wait3A_220 = tpu.memref_squeeze %dma_wait3A_219 : memref<1x128x128xf32, #tpu.memory_space<vmem>> -> memref<128x128xf32, #tpu.memory_space<vmem>>
      %dma_wait3A_221 = arith.constant 0 : i32
      %dma_wait3A_222 = tpu.memref_slice %arg10[%add3A_107, %dma_wait3A_221] : memref<10240x128xf32, #tpu.memory_space<vmem_shared>> -> memref<128x128xf32, #tpu.memory_space<vmem_shared>>
      %dma_wait3A_223 = arith.constant 0 : i32
      %dma_wait3A_224 = arith.constant 0 : i32
      %dma_wait3A_225 = tpu.memref_slice %arg9[%run_scoped3A_123, %dma_wait3A_223, %dma_wait3A_224] : memref<2x128x128xf32, #tpu.memory_space<vmem>> -> memref<1x128x128xf32, #tpu.memory_space<vmem>>
      %dma_wait3A_226 = tpu.memref_squeeze %dma_wait3A_225 : memref<1x128x128xf32, #tpu.memory_space<vmem>> -> memref<128x128xf32, #tpu.memory_space<vmem>>
      %dma_wait3A_227 = arith.constant 0 : i32
      %dma_wait3A_228 = tpu.memref_slice %arg10[%add3A_107, %dma_wait3A_227] : memref<10240x128xf32, #tpu.memory_space<vmem_shared>> -> memref<128x128xf32, #tpu.memory_space<vmem_shared>>
      tpu.wait_dma2 semaphore(%run_scoped3A_204 : memref<!tpu.dma_semaphore, #tpu.memory_space<semaphore_mem>>) src(%dma_wait3A_228 : memref<128x128xf32, #tpu.memory_space<vmem_shared>>) dst(%dma_wait3A_226 : memref<128x128xf32, #tpu.memory_space<vmem>>)
      tpu.yield
    }) : () -> ()
    %dma_start3A_124 = arith.constant 1 : i32
    %dma_start3A_125 = arith.constant 0 : i32
    %dma_start3A_126 = arith.constant 0 : i32
    %dma_start3A_127 = tpu.memref_slice %arg9[%dma_start3A_124, %dma_start3A_125, %dma_start3A_126] : memref<2x128x128xf32, #tpu.memory_space<vmem>> -> memref<1x128x128xf32, #tpu.memory_space<vmem>>
    %dma_start3A_128 = tpu.memref_squeeze %dma_start3A_127 : memref<1x128x128xf32, #tpu.memory_space<vmem>> -> memref<128x128xf32, #tpu.memory_space<vmem>>
    %dma_start3A_129 = arith.constant 0 : i32
    %dma_start3A_130 = tpu.memref_slice %arg6[%arg0, %add3A_107, %dma_start3A_129] : memref<2x10240x128xf32, #tpu.memory_space<hbm>> -> memref<1x128x128xf32, #tpu.memory_space<hbm>>
    %dma_start3A_131 = tpu.memref_squeeze %dma_start3A_130 : memref<1x128x128xf32, #tpu.memory_space<hbm>> -> memref<128x128xf32, #tpu.memory_space<hbm>>
    %dma_start3A_132 = arith.constant 0 : i32
    %dma_start3A_133 = tpu.memref_slice %arg6[%arg0, %add3A_107, %dma_start3A_132] : memref<2x10240x128xf32, #tpu.memory_space<hbm>> -> memref<1x128x128xf32, #tpu.memory_space<hbm>>
    %dma_start3A_134 = tpu.memref_squeeze %dma_start3A_133 : memref<1x128x128xf32, #tpu.memory_space<hbm>> -> memref<128x128xf32, #tpu.memory_space<hbm>>
    %dma_start3A_135 = arith.constant 0 : i32
    %dma_start3A_136 = arith.constant 0 : i32
    %dma_start3A_137 = tpu.memref_slice %arg9[%dma_start3A_124, %dma_start3A_135, %dma_start3A_136] : memref<2x128x128xf32, #tpu.memory_space<vmem>> -> memref<1x128x128xf32, #tpu.memory_space<vmem>>
    %dma_start3A_138 = tpu.memref_squeeze %dma_start3A_137 : memref<1x128x128xf32, #tpu.memory_space<vmem>> -> memref<128x128xf32, #tpu.memory_space<vmem>>
    tpu.enqueue_dma source(%dma_start3A_138 : memref<128x128xf32, #tpu.memory_space<vmem>>) target(%dma_start3A_134 : memref<128x128xf32, #tpu.memory_space<hbm>>) target_semaphore(%arg12 : memref<!tpu.dma_semaphore, #tpu.memory_space<semaphore_mem>>)
    %mul3A_139 = arith.constant 640 : i32
    %mul3A_140 = arith.muli %arg1, %mul3A_139 : i32
    %add3A_141 = arith.constant 512 : i32
    %add3A_142 = arith.addi %mul3A_140, %add3A_141 : i32
    %dma_wait3A_143 = arith.constant 0 : i32
    %dma_wait3A_144 = arith.constant 0 : i32
    %dma_wait3A_145 = arith.constant 0 : i32
    %dma_wait3A_146 = tpu.memref_slice %arg9[%dma_wait3A_143, %dma_wait3A_144, %dma_wait3A_145] : memref<2x128x128xf32, #tpu.memory_space<vmem>> -> memref<1x128x128xf32, #tpu.memory_space<vmem>>
    %dma_wait3A_147 = tpu.memref_squeeze %dma_wait3A_146 : memref<1x128x128xf32, #tpu.memory_space<vmem>> -> memref<128x128xf32, #tpu.memory_space<vmem>>
    %dma_wait3A_148 = arith.constant 0 : i32
    %dma_wait3A_149 = tpu.memref_slice %arg6[%arg0, %add3A_73, %dma_wait3A_148] : memref<2x10240x128xf32, #tpu.memory_space<hbm>> -> memref<1x128x128xf32, #tpu.memory_space<hbm>>
    %dma_wait3A_150 = tpu.memref_squeeze %dma_wait3A_149 : memref<1x128x128xf32, #tpu.memory_space<hbm>> -> memref<128x128xf32, #tpu.memory_space<hbm>>
    %dma_wait3A_151 = arith.constant 0 : i32
    %dma_wait3A_152 = tpu.memref_slice %arg6[%arg0, %add3A_73, %dma_wait3A_151] : memref<2x10240x128xf32, #tpu.memory_space<hbm>> -> memref<1x128x128xf32, #tpu.memory_space<hbm>>
    %dma_wait3A_153 = tpu.memref_squeeze %dma_wait3A_152 : memref<1x128x128xf32, #tpu.memory_space<hbm>> -> memref<128x128xf32, #tpu.memory_space<hbm>>
    %dma_wait3A_154 = arith.constant 0 : i32
    %dma_wait3A_155 = arith.constant 0 : i32
    %dma_wait3A_156 = tpu.memref_slice %arg9[%dma_wait3A_143, %dma_wait3A_154, %dma_wait3A_155] : memref<2x128x128xf32, #tpu.memory_space<vmem>> -> memref<1x128x128xf32, #tpu.memory_space<vmem>>
    %dma_wait3A_157 = tpu.memref_squeeze %dma_wait3A_156 : memref<1x128x128xf32, #tpu.memory_space<vmem>> -> memref<128x128xf32, #tpu.memory_space<vmem>>
    tpu.wait_dma2 semaphore(%arg11 : memref<!tpu.dma_semaphore, #tpu.memory_space<semaphore_mem>>) src(%dma_wait3A_157 : memref<128x128xf32, #tpu.memory_space<vmem>>) dst(%dma_wait3A_153 : memref<128x128xf32, #tpu.memory_space<hbm>>)
    %run_scoped3A_158 = arith.constant 0 : i32
    "tpu.region"() ({
      %run_scoped3A_204 = tpu.sem_alloc : memref<!tpu.dma_semaphore, #tpu.memory_space<semaphore_mem>>
      %dma_start3A_205 = arith.constant 0 : i32
      %dma_start3A_206 = arith.constant 0 : i32
      %dma_start3A_207 = tpu.memref_slice %arg9[%run_scoped3A_158, %dma_start3A_205, %dma_start3A_206] : memref<2x128x128xf32, #tpu.memory_space<vmem>> -> memref<1x128x128xf32, #tpu.memory_space<vmem>>
      %dma_start3A_208 = tpu.memref_squeeze %dma_start3A_207 : memref<1x128x128xf32, #tpu.memory_space<vmem>> -> memref<128x128xf32, #tpu.memory_space<vmem>>
      %dma_start3A_209 = arith.constant 0 : i32
      %dma_start3A_210 = tpu.memref_slice %arg10[%add3A_142, %dma_start3A_209] : memref<10240x128xf32, #tpu.memory_space<vmem_shared>> -> memref<128x128xf32, #tpu.memory_space<vmem_shared>>
      %dma_start3A_211 = arith.constant 0 : i32
      %dma_start3A_212 = arith.constant 0 : i32
      %dma_start3A_213 = tpu.memref_slice %arg9[%run_scoped3A_158, %dma_start3A_211, %dma_start3A_212] : memref<2x128x128xf32, #tpu.memory_space<vmem>> -> memref<1x128x128xf32, #tpu.memory_space<vmem>>
      %dma_start3A_214 = tpu.memref_squeeze %dma_start3A_213 : memref<1x128x128xf32, #tpu.memory_space<vmem>> -> memref<128x128xf32, #tpu.memory_space<vmem>>
      %dma_start3A_215 = arith.constant 0 : i32
      %dma_start3A_216 = tpu.memref_slice %arg10[%add3A_142, %dma_start3A_215] : memref<10240x128xf32, #tpu.memory_space<vmem_shared>> -> memref<128x128xf32, #tpu.memory_space<vmem_shared>>
      tpu.enqueue_dma source(%dma_start3A_216 : memref<128x128xf32, #tpu.memory_space<vmem_shared>>) target(%dma_start3A_214 : memref<128x128xf32, #tpu.memory_space<vmem>>) target_semaphore(%run_scoped3A_204 : memref<!tpu.dma_semaphore, #tpu.memory_space<semaphore_mem>>)
      %dma_wait3A_217 = arith.constant 0 : i32
      %dma_wait3A_218 = arith.constant 0 : i32
      %dma_wait3A_219 = tpu.memref_slice %arg9[%run_scoped3A_158, %dma_wait3A_217, %dma_wait3A_218] : memref<2x128x128xf32, #tpu.memory_space<vmem>> -> memref<1x128x128xf32, #tpu.memory_space<vmem>>
      %dma_wait3A_220 = tpu.memref_squeeze %dma_wait3A_219 : memref<1x128x128xf32, #tpu.memory_space<vmem>> -> memref<128x128xf32, #tpu.memory_space<vmem>>
      %dma_wait3A_221 = arith.constant 0 : i32
      %dma_wait3A_222 = tpu.memref_slice %arg10[%add3A_142, %dma_wait3A_221] : memref<10240x128xf32, #tpu.memory_space<vmem_shared>> -> memref<128x128xf32, #tpu.memory_space<vmem_shared>>
      %dma_wait3A_223 = arith.constant 0 : i32
      %dma_wait3A_224 = arith.constant 0 : i32
      %dma_wait3A_225 = tpu.memref_slice %arg9[%run_scoped3A_158, %dma_wait3A_223, %dma_wait3A_224] : memref<2x128x128xf32, #tpu.memory_space<vmem>> -> memref<1x128x128xf32, #tpu.memory_space<vmem>>
      %dma_wait3A_226 = tpu.memref_squeeze %dma_wait3A_225 : memref<1x128x128xf32, #tpu.memory_space<vmem>> -> memref<128x128xf32, #tpu.memory_space<vmem>>
      %dma_wait3A_227 = arith.constant 0 : i32
      %dma_wait3A_228 = tpu.memref_slice %arg10[%add3A_142, %dma_wait3A_227] : memref<10240x128xf32, #tpu.memory_space<vmem_shared>> -> memref<128x128xf32, #tpu.memory_space<vmem_shared>>
      tpu.wait_dma2 semaphore(%run_scoped3A_204 : memref<!tpu.dma_semaphore, #tpu.memory_space<semaphore_mem>>) src(%dma_wait3A_228 : memref<128x128xf32, #tpu.memory_space<vmem_shared>>) dst(%dma_wait3A_226 : memref<128x128xf32, #tpu.memory_space<vmem>>)
      tpu.yield
    }) : () -> ()
    %dma_start3A_159 = arith.constant 0 : i32
    %dma_start3A_160 = arith.constant 0 : i32
    %dma_start3A_161 = arith.constant 0 : i32
    %dma_start3A_162 = tpu.memref_slice %arg9[%dma_start3A_159, %dma_start3A_160, %dma_start3A_161] : memref<2x128x128xf32, #tpu.memory_space<vmem>> -> memref<1x128x128xf32, #tpu.memory_space<vmem>>
    %dma_start3A_163 = tpu.memref_squeeze %dma_start3A_162 : memref<1x128x128xf32, #tpu.memory_space<vmem>> -> memref<128x128xf32, #tpu.memory_space<vmem>>
    %dma_start3A_164 = arith.constant 0 : i32
    %dma_start3A_165 = tpu.memref_slice %arg6[%arg0, %add3A_142, %dma_start3A_164] : memref<2x10240x128xf32, #tpu.memory_space<hbm>> -> memref<1x128x128xf32, #tpu.memory_space<hbm>>
    %dma_start3A_166 = tpu.memref_squeeze %dma_start3A_165 : memref<1x128x128xf32, #tpu.memory_space<hbm>> -> memref<128x128xf32, #tpu.memory_space<hbm>>
    %dma_start3A_167 = arith.constant 0 : i32
    %dma_start3A_168 = tpu.memref_slice %arg6[%arg0, %add3A_142, %dma_start3A_167] : memref<2x10240x128xf32, #tpu.memory_space<hbm>> -> memref<1x128x128xf32, #tpu.memory_space<hbm>>
    %dma_start3A_169 = tpu.memref_squeeze %dma_start3A_168 : memref<1x128x128xf32, #tpu.memory_space<hbm>> -> memref<128x128xf32, #tpu.memory_space<hbm>>
    %dma_start3A_170 = arith.constant 0 : i32
    %dma_start3A_171 = arith.constant 0 : i32
    %dma_start3A_172 = tpu.memref_slice %arg9[%dma_start3A_159, %dma_start3A_170, %dma_start3A_171] : memref<2x128x128xf32, #tpu.memory_space<vmem>> -> memref<1x128x128xf32, #tpu.memory_space<vmem>>
    %dma_start3A_173 = tpu.memref_squeeze %dma_start3A_172 : memref<1x128x128xf32, #tpu.memory_space<vmem>> -> memref<128x128xf32, #tpu.memory_space<vmem>>
    tpu.enqueue_dma source(%dma_start3A_173 : memref<128x128xf32, #tpu.memory_space<vmem>>) target(%dma_start3A_169 : memref<128x128xf32, #tpu.memory_space<hbm>>) target_semaphore(%arg11 : memref<!tpu.dma_semaphore, #tpu.memory_space<semaphore_mem>>)
    %dma_wait3A_174 = arith.constant 0 : i32
    %dma_wait3A_175 = arith.constant 0 : i32
    %dma_wait3A_176 = arith.constant 0 : i32
    %dma_wait3A_177 = tpu.memref_slice %arg9[%dma_wait3A_174, %dma_wait3A_175, %dma_wait3A_176] : memref<2x128x128xf32, #tpu.memory_space<vmem>> -> memref<1x128x128xf32, #tpu.memory_space<vmem>>
    %dma_wait3A_178 = tpu.memref_squeeze %dma_wait3A_177 : memref<1x128x128xf32, #tpu.memory_space<vmem>> -> memref<128x128xf32, #tpu.memory_space<vmem>>
    %dma_wait3A_179 = arith.constant 0 : i32
    %dma_wait3A_180 = tpu.memref_slice %arg6[%arg0, %add3A_142, %dma_wait3A_179] : memref<2x10240x128xf32, #tpu.memory_space<hbm>> -> memref<1x128x128xf32, #tpu.memory_space<hbm>>
    %dma_wait3A_181 = tpu.memref_squeeze %dma_wait3A_180 : memref<1x128x128xf32, #tpu.memory_space<hbm>> -> memref<128x128xf32, #tpu.memory_space<hbm>>
    %dma_wait3A_182 = arith.constant 0 : i32
    %dma_wait3A_183 = tpu.memref_slice %arg6[%arg0, %add3A_142, %dma_wait3A_182] : memref<2x10240x128xf32, #tpu.memory_space<hbm>> -> memref<1x128x128xf32, #tpu.memory_space<hbm>>
    %dma_wait3A_184 = tpu.memref_squeeze %dma_wait3A_183 : memref<1x128x128xf32, #tpu.memory_space<hbm>> -> memref<128x128xf32, #tpu.memory_space<hbm>>
    %dma_wait3A_185 = arith.constant 0 : i32
    %dma_wait3A_186 = arith.constant 0 : i32
    %dma_wait3A_187 = tpu.memref_slice %arg9[%dma_wait3A_174, %dma_wait3A_185, %dma_wait3A_186] : memref<2x128x128xf32, #tpu.memory_space<vmem>> -> memref<1x128x128xf32, #tpu.memory_space<vmem>>
    %dma_wait3A_188 = tpu.memref_squeeze %dma_wait3A_187 : memref<1x128x128xf32, #tpu.memory_space<vmem>> -> memref<128x128xf32, #tpu.memory_space<vmem>>
    tpu.wait_dma2 semaphore(%arg11 : memref<!tpu.dma_semaphore, #tpu.memory_space<semaphore_mem>>) src(%dma_wait3A_188 : memref<128x128xf32, #tpu.memory_space<vmem>>) dst(%dma_wait3A_184 : memref<128x128xf32, #tpu.memory_space<hbm>>)
    %dma_wait3A_189 = arith.constant 1 : i32
    %dma_wait3A_190 = arith.constant 0 : i32
    %dma_wait3A_191 = arith.constant 0 : i32
    %dma_wait3A_192 = tpu.memref_slice %arg9[%dma_wait3A_189, %dma_wait3A_190, %dma_wait3A_191] : memref<2x128x128xf32, #tpu.memory_space<vmem>> -> memref<1x128x128xf32, #tpu.memory_space<vmem>>
    %dma_wait3A_193 = tpu.memref_squeeze %dma_wait3A_192 : memref<1x128x128xf32, #tpu.memory_space<vmem>> -> memref<128x128xf32, #tpu.memory_space<vmem>>
    %dma_wait3A_194 = arith.constant 0 : i32
    %dma_wait3A_195 = tpu.memref_slice %arg6[%arg0, %add3A_107, %dma_wait3A_194] : memref<2x10240x128xf32, #tpu.memory_space<hbm>> -> memref<1x128x128xf32, #tpu.memory_space<hbm>>
    %dma_wait3A_196 = tpu.memref_squeeze %dma_wait3A_195 : memref<1x128x128xf32, #tpu.memory_space<hbm>> -> memref<128x128xf32, #tpu.memory_space<hbm>>
    %dma_wait3A_197 = arith.constant 0 : i32
    %dma_wait3A_198 = tpu.memref_slice %arg6[%arg0, %add3A_107, %dma_wait3A_197] : memref<2x10240x128xf32, #tpu.memory_space<hbm>> -> memref<1x128x128xf32, #tpu.memory_space<hbm>>
    %dma_wait3A_199 = tpu.memref_squeeze %dma_wait3A_198 : memref<1x128x128xf32, #tpu.memory_space<hbm>> -> memref<128x128xf32, #tpu.memory_space<hbm>>
    %dma_wait3A_200 = arith.constant 0 : i32
    %dma_wait3A_201 = arith.constant 0 : i32
    %dma_wait3A_202 = tpu.memref_slice %arg9[%dma_wait3A_189, %dma_wait3A_200, %dma_wait3A_201] : memref<2x128x128xf32, #tpu.memory_space<vmem>> -> memref<1x128x128xf32, #tpu.memory_space<vmem>>
    %dma_wait3A_203 = tpu.memref_squeeze %dma_wait3A_202 : memref<1x128x128xf32, #tpu.memory_space<vmem>> -> memref<128x128xf32, #tpu.memory_space<vmem>>
    tpu.wait_dma2 semaphore(%arg12 : memref<!tpu.dma_semaphore, #tpu.memory_space<semaphore_mem>>) src(%dma_wait3A_203 : memref<128x128xf32, #tpu.memory_space<vmem>>) dst(%dma_wait3A_199 : memref<128x128xf32, #tpu.memory_space<hbm>>)
    return
  }
}

module attributes {stable_mosaic.version = 14 : i64} {
  func.func @_mlp_body(%arg0: i32, %arg1: memref<2000x128xf32, #tpu.memory_space<vmem>>, %arg2: memref<1x2000x128xf32, #tpu.memory_space<vmem>>, %arg3: memref<1x2000x128xf32, #tpu.memory_space<vmem>>, %arg4: memref<1x1xf32, #tpu.memory_space<vmem>>, %arg5: memref<128x16xf32, #tpu.memory_space<vmem>>, %arg6: memref<1x16xf32, #tpu.memory_space<vmem>>, %arg7: memref<16x16xf32, #tpu.memory_space<vmem>>, %arg8: memref<1x16xf32, #tpu.memory_space<vmem>>, %arg9: memref<16x1xf32, #tpu.memory_space<vmem>>, %arg10: memref<1x1xf32, #tpu.memory_space<vmem>>, %arg11: memref<2000x1xf32, #tpu.memory_space<vmem>>) attributes {dimension_semantics = [#tpu.dimension_semantics<arbitrary>], iteration_bounds = array<i64: 5>, scalar_prefetch = 0 : i64, scratch_operands = 0 : i64, tpu.core_type = #tpu.core_type<tc>, window_params = [{transform_indices = @transform_0, window_bounds = array<i64: 2000, 128>}, {transform_indices = @transform_1, window_bounds = array<i64: 1, 2000, 128>}, {transform_indices = @transform_2, window_bounds = array<i64: 1, 2000, 128>}, {pipeline_mode = #tpu.pipeline_mode<synchronous>, transform_indices = @transform_3, window_bounds = array<i64: 1, 1>}, {pipeline_mode = #tpu.pipeline_mode<synchronous>, transform_indices = @transform_4, window_bounds = array<i64: 128, 16>}, {pipeline_mode = #tpu.pipeline_mode<synchronous>, transform_indices = @transform_5, window_bounds = array<i64: 1, 16>}, {pipeline_mode = #tpu.pipeline_mode<synchronous>, transform_indices = @transform_6, window_bounds = array<i64: 16, 16>}, {pipeline_mode = #tpu.pipeline_mode<synchronous>, transform_indices = @transform_7, window_bounds = array<i64: 1, 16>}, {pipeline_mode = #tpu.pipeline_mode<synchronous>, transform_indices = @transform_8, window_bounds = array<i64: 16, 1>}, {pipeline_mode = #tpu.pipeline_mode<synchronous>, transform_indices = @transform_9, window_bounds = array<i64: 1, 1>}, {transform_indices = @transform_10, window_bounds = array<i64: 2000, 1>}]} {
    %get3A = arith.constant 0 : index
    %get3A_0 = arith.constant 0 : index
    %get3A_1 = arith.constant 0 : index
    %get3A_2 = vector.load %arg2[%get3A, %get3A_0, %get3A_1] : memref<1x2000x128xf32, #tpu.memory_space<vmem>>, vector<1x2000x128xf32>
    %get3A_3 = vector.shape_cast %get3A_2 : vector<1x2000x128xf32> to vector<2000x128xf32>
    %get3A_4 = arith.constant 0 : index
    %get3A_5 = arith.constant 0 : index
    %get3A_6 = arith.constant 0 : index
    %get3A_7 = vector.load %arg3[%get3A_4, %get3A_5, %get3A_6] : memref<1x2000x128xf32, #tpu.memory_space<vmem>>, vector<1x2000x128xf32>
    %get3A_8 = vector.shape_cast %get3A_7 : vector<1x2000x128xf32> to vector<2000x128xf32>
    %add3A = arith.addf %get3A_3, %get3A_8 : vector<2000x128xf32>
    %get3A_9 = arith.constant 0 : index
    %get3A_10 = arith.constant 0 : index
    %get3A_11 = vector.load %arg4[%get3A_9, %get3A_10] : memref<1x1xf32, #tpu.memory_space<vmem>>, vector<1x1xf32>
    %get3A_12 = vector.extract %get3A_11[0, 0] : f32 from vector<1x1xf32>
    %add3A_13 = arith.constant 1.000000e+00 : f32
    %add3A_14 = arith.addf %add3A_13, %get3A_12 : f32
    %get3A_15 = arith.constant 0 : index
    %get3A_16 = arith.constant 0 : index
    %get3A_17 = vector.load %arg1[%get3A_15, %get3A_16] : memref<2000x128xf32, #tpu.memory_space<vmem>>, vector<2000x128xf32>
    %mul3A = vector.broadcast %add3A_14 : f32 to vector<2000x128xf32>
    %mul3A_18 = arith.mulf %mul3A, %get3A_17 : vector<2000x128xf32>
    %add3A_19 = arith.addf %mul3A_18, %add3A : vector<2000x128xf32>
    %get3A_20 = arith.constant 0 : index
    %get3A_21 = arith.constant 0 : index
    %get3A_22 = vector.load %arg5[%get3A_20, %get3A_21] : memref<128x16xf32, #tpu.memory_space<vmem>>, vector<128x16xf32>
    %dot_general3A = arith.constant dense<0.000000e+00> : vector<2000x16xf32>
    %dot_general3A_23 = tpu.matmul %add3A_19, %get3A_22, %dot_general3A {dimension_numbers = #tpu.dot_dimension_numbers<[1], [0], [0], [1], [0, 0, 1, 1], [], []>, transpose_lhs_hint = false} : vector<2000x128xf32>, vector<128x16xf32>, vector<2000x16xf32> -> vector<2000x16xf32>
    %get3A_24 = arith.constant 0 : index
    %get3A_25 = arith.constant 0 : index
    %get3A_26 = vector.load %arg6[%get3A_24, %get3A_25] : memref<1x16xf32, #tpu.memory_space<vmem>>, vector<1x16xf32>
    %add3A_27 = vector.broadcast %get3A_26 : vector<1x16xf32> to vector<2000x16xf32>
    %add3A_28 = arith.addf %dot_general3A_23, %add3A_27 : vector<2000x16xf32>
    %max3A = arith.constant 0.000000e+00 : f32
    %max3A_29 = vector.broadcast %max3A : f32 to vector<2000x16xf32>
    %max3A_30 = arith.maximumf %add3A_28, %max3A_29 : vector<2000x16xf32>
    %get3A_31 = arith.constant 0 : index
    %get3A_32 = arith.constant 0 : index
    %get3A_33 = vector.load %arg7[%get3A_31, %get3A_32] : memref<16x16xf32, #tpu.memory_space<vmem>>, vector<16x16xf32>
    %dot_general3A_34 = arith.constant dense<0.000000e+00> : vector<2000x16xf32>
    %dot_general3A_35 = tpu.matmul %max3A_30, %get3A_33, %dot_general3A_34 {dimension_numbers = #tpu.dot_dimension_numbers<[1], [0], [0], [1], [0, 0, 1, 1], [], []>, transpose_lhs_hint = false} : vector<2000x16xf32>, vector<16x16xf32>, vector<2000x16xf32> -> vector<2000x16xf32>
    %get3A_36 = arith.constant 0 : index
    %get3A_37 = arith.constant 0 : index
    %get3A_38 = vector.load %arg8[%get3A_36, %get3A_37] : memref<1x16xf32, #tpu.memory_space<vmem>>, vector<1x16xf32>
    %add3A_39 = vector.broadcast %get3A_38 : vector<1x16xf32> to vector<2000x16xf32>
    %add3A_40 = arith.addf %dot_general3A_35, %add3A_39 : vector<2000x16xf32>
    %max3A_41 = arith.constant 0.000000e+00 : f32
    %max3A_42 = vector.broadcast %max3A_41 : f32 to vector<2000x16xf32>
    %max3A_43 = arith.maximumf %add3A_40, %max3A_42 : vector<2000x16xf32>
    %get3A_44 = arith.constant 0 : index
    %get3A_45 = arith.constant 0 : index
    %get3A_46 = vector.load %arg9[%get3A_44, %get3A_45] : memref<16x1xf32, #tpu.memory_space<vmem>>, vector<16x1xf32>
    %dot_general3A_47 = arith.constant dense<0.000000e+00> : vector<2000x1xf32>
    %dot_general3A_48 = tpu.matmul %max3A_43, %get3A_46, %dot_general3A_47 {dimension_numbers = #tpu.dot_dimension_numbers<[1], [0], [0], [1], [0, 0, 1, 1], [], []>, transpose_lhs_hint = false} : vector<2000x16xf32>, vector<16x1xf32>, vector<2000x1xf32> -> vector<2000x1xf32>
    %get3A_49 = arith.constant 0 : index
    %get3A_50 = arith.constant 0 : index
    %get3A_51 = vector.load %arg10[%get3A_49, %get3A_50] : memref<1x1xf32, #tpu.memory_space<vmem>>, vector<1x1xf32>
    %add3A_52 = vector.broadcast %get3A_51 : vector<1x1xf32> to vector<2000x1xf32>
    %add3A_53 = arith.addf %dot_general3A_48, %add3A_52 : vector<2000x1xf32>
    %max3A_54 = arith.constant 0.000000e+00 : f32
    %max3A_55 = vector.broadcast %max3A_54 : f32 to vector<2000x1xf32>
    %max3A_56 = arith.maximumf %add3A_53, %max3A_55 : vector<2000x1xf32>
    %swap3A = arith.constant 0 : index
    %swap3A_57 = arith.constant 0 : index
    %swap3A_58 = vector.load %arg11[%swap3A, %swap3A_57] : memref<2000x1xf32, #tpu.memory_space<vmem>>, vector<2000x1xf32>
    tpu.vector_store %arg11[%swap3A, %swap3A_57], %max3A_56 {strides = array<i32>} : memref<2000x1xf32, #tpu.memory_space<vmem>>, vector<2000x1xf32>,
    return
  }
  func.func @transform_0(%arg0: i32) -> (i32, i32) {
    %c0_i32 = arith.constant 0 : i32
    %c0_i32_0 = arith.constant 0 : i32
    return %arg0, %c0_i32 : i32, i32
  }
  func.func @transform_1(%arg0: i32) -> (i32, i32, i32) {
    %c0_i32 = arith.constant 0 : i32
    %c0_i32_0 = arith.constant 0 : i32
    %c0_i32_1 = arith.constant 0 : i32
    return %c0_i32, %arg0, %c0_i32_0 : i32, i32, i32
  }
  func.func @transform_2(%arg0: i32) -> (i32, i32, i32) {
    %c1_i32 = arith.constant 1 : i32
    %c0_i32 = arith.constant 0 : i32
    %c0_i32_0 = arith.constant 0 : i32
    return %c1_i32, %arg0, %c0_i32 : i32, i32, i32
  }
  func.func @transform_3(%arg0: i32) -> (i32, i32) {
    %c0_i32 = arith.constant 0 : i32
    %c0_i32_0 = arith.constant 0 : i32
    %c0_i32_1 = arith.constant 0 : i32
    return %c0_i32, %c0_i32_0 : i32, i32
  }
  func.func @transform_4(%arg0: i32) -> (i32, i32) {
    %c0_i32 = arith.constant 0 : i32
    %c0_i32_0 = arith.constant 0 : i32
    %c0_i32_1 = arith.constant 0 : i32
    return %c0_i32, %c0_i32_0 : i32, i32
  }
  func.func @transform_5(%arg0: i32) -> (i32, i32) {
    %c0_i32 = arith.constant 0 : i32
    %c0_i32_0 = arith.constant 0 : i32
    %c0_i32_1 = arith.constant 0 : i32
    return %c0_i32, %c0_i32_0 : i32, i32
  }
  func.func @transform_6(%arg0: i32) -> (i32, i32) {
    %c0_i32 = arith.constant 0 : i32
    %c0_i32_0 = arith.constant 0 : i32
    %c0_i32_1 = arith.constant 0 : i32
    return %c0_i32, %c0_i32_0 : i32, i32
  }
  func.func @transform_7(%arg0: i32) -> (i32, i32) {
    %c0_i32 = arith.constant 0 : i32
    %c0_i32_0 = arith.constant 0 : i32
    %c0_i32_1 = arith.constant 0 : i32
    return %c0_i32, %c0_i32_0 : i32, i32
  }
  func.func @transform_8(%arg0: i32) -> (i32, i32) {
    %c0_i32 = arith.constant 0 : i32
    %c0_i32_0 = arith.constant 0 : i32
    %c0_i32_1 = arith.constant 0 : i32
    return %c0_i32, %c0_i32_0 : i32, i32
  }
  func.func @transform_9(%arg0: i32) -> (i32, i32) {
    %c0_i32 = arith.constant 0 : i32
    %c0_i32_0 = arith.constant 0 : i32
    %c0_i32_1 = arith.constant 0 : i32
    return %c0_i32, %c0_i32_0 : i32, i32
  }
  func.func @transform_10(%arg0: i32) -> (i32, i32) {
    %c0_i32 = arith.constant 0 : i32
    %c0_i32_0 = arith.constant 0 : i32
    return %arg0, %c0_i32 : i32, i32
  }
}

module attributes {stable_mosaic.version = 14 : i64} {
  func.func @_outer_body(%arg0: i32, %arg1: i32, %arg2: memref<400x1xf32, #tpu.memory_space<vmem>>, %arg3: memref<1x10000xf32, #tpu.memory_space<vmem>>, %arg4: memref<400x10000xf32, #tpu.memory_space<vmem>>) attributes {dimension_semantics = [#tpu.dimension_semantics<arbitrary>, #tpu.dimension_semantics<arbitrary>], iteration_bounds = array<i64: 25, 1>, scalar_prefetch = 0 : i64, scratch_operands = 0 : i64, tpu.core_type = #tpu.core_type<tc>, window_params = [{transform_indices = @transform_0, window_bounds = array<i64: 400, 1>}, {transform_indices = @transform_1, window_bounds = array<i64: 1, 10000>}, {transform_indices = @transform_2, window_bounds = array<i64: 400, 10000>}]} {
    %get3A = arith.constant 0 : index
    %get3A_0 = arith.constant 0 : index
    %get3A_1 = vector.load %arg2[%get3A, %get3A_0] : memref<400x1xf32, #tpu.memory_space<vmem>>, vector<400x1xf32>
    %get3A_2 = arith.constant 0 : index
    %get3A_3 = arith.constant 0 : index
    %get3A_4 = vector.load %arg3[%get3A_2, %get3A_3] : memref<1x10000xf32, #tpu.memory_space<vmem>>, vector<1x10000xf32>
    %mul3A = vector.broadcast %get3A_1 : vector<400x1xf32> to vector<400x10000xf32>
    %mul3A_5 = vector.broadcast %get3A_4 : vector<1x10000xf32> to vector<400x10000xf32>
    %mul3A_6 = arith.mulf %mul3A, %mul3A_5 : vector<400x10000xf32>
    %swap3A = arith.constant 0 : index
    %swap3A_7 = arith.constant 0 : index
    %swap3A_8 = vector.load %arg4[%swap3A, %swap3A_7] : memref<400x10000xf32, #tpu.memory_space<vmem>>, vector<400x10000xf32>
    tpu.vector_store %arg4[%swap3A, %swap3A_7], %mul3A_6 {strides = array<i32>} : memref<400x10000xf32, #tpu.memory_space<vmem>>, vector<400x10000xf32>,
    return
  }
  func.func @transform_0(%arg0: i32, %arg1: i32) -> (i32, i32) {
    %c0_i32 = arith.constant 0 : i32
    %c0_i32_0 = arith.constant 0 : i32
    return %arg0, %c0_i32 : i32, i32
  }
  func.func @transform_1(%arg0: i32, %arg1: i32) -> (i32, i32) {
    %c0_i32 = arith.constant 0 : i32
    %c0_i32_0 = arith.constant 0 : i32
    return %c0_i32, %arg1 : i32, i32
  }
  func.func @transform_2(%arg0: i32, %arg1: i32) -> (i32, i32) {
    %c0_i32 = arith.constant 0 : i32
    return %arg0, %arg1 : i32, i32
  }
}

</mosaic_0001>

<sc_bundles>
// kernel: kernel.5.cloned.1.call-start
scs
__scs_entry_jumppad:
0x0: {  	(pc) =	sbr.rel $0x88, $3  }
0x1: {  	(tag) =	ssettag $0x0;
	lr =	simm.s32 $0x1  }
0x2: {  	[smem:$0x3F98] =	sst lr;
	_ =	strace $0xD0000000  }
0x3: {  	_ = 	snop  }
0x4: {  	_ = 	snop  }
0x5: {  	_ = 	snop  }
0x6: {  	_ = 	snop  }
0x7: {  	_ = 	snop  }
__scs_overlays_trampoline_lowered:
0x8: {  	[smem:$0x3FA7] =	sst s0  }
0x9: {  	[smem:$0x3FA8] =	sst s1  }
0xa: {  	[smem:$0x3FA9] =	sst s2  }
0xb: {  	[smem:$0x3FAA] =	sst s3  }
0xc: {  	[smem:$0x3FAB] =	sst s4  }
0xd: {  	[smem:$0x3FAC] =	sst s5  }
0xe: {  	[smem:$0x3FAD] =	sst s6  }
0xf: {  	[smem:$0x3FAE] =	sst s7  }
0x10: {  	[smem:$0x3FAF] =	sst s8  }
0x11: {  	[smem:$0x3FB0] =	sst s9;
	s0 =	simm.s32 @!p0 $0x0  }
0x12: {  	s1 =	sld [smem:$0x3F96];
	s0 =	simm.s32 @p0 $0x1  }
0x13: {  	[smem:$0x3FB1] =	sst s0;
	s0 =	simm.s32 @!p1 $0x0  }
0x14: {  	s2 =	sld [smem:$0x3F95];
	s0 =	simm.s32 @p1 $0x1  }
0x15: {  	[smem:$0x3FB2] =	sst s0;
	s0 =	simm.s32 @!p2 $0x0  }
0x16: {  	s3 =	sld [smem:$0x3FDB];
	s0 =	simm.s32 @p2 $0x1  }
0x17: {  	s4 =	simm.s32 $0x1BF5;
	[smem:$0x3FB4] =	sst s0  }
0x18: {  	s0 =	sld [smem:$0x3F97];
	_ =	swait.ge [sflag:s4], $0x0  }
0x19: {  	s7 =	sld [smem:$0x3F98]  }
0x1a: {  	s8 =	sadd.s32 $0xFFFFE003, lr  }
0x1b: {  	s9 =	sadd.s32 $0xFFFFFEF7, lr;
	s5 =	simm.s32 $0xFFFFFFFF;
	p2 =	slt.u32 s8, $0xFFFFF086  }
0x1c: {  	p1 =	slt.u32 s9, $0xF7A;
	s5 =	simm.s32 @!p2 $0x0  }
0x1d: {  	s5 =	simm.s32 @p1 $0x1;
	p0 =	seq.s32 s7, s2  }
0x1e: {  	s7 =	smul.u32 @!p0 $0xF7A, s2;
	p2 =	seq.s32 @!p0 s5, $0x0  }
0x1f: {  	s9 =	smul.u32 $0xF7A, s1;
	s8 =	simm.s32 @!p0 $0x1BF5;
	p2 =	por !p2, p0  }
0x20: {  	[sflag:s8] =	ssyncset.s32 @!p0 $0xFFFFF086;
	s6 =	sadd.s32 @!p0 s3, s7;
	s7 =	simm.s32 @!p0 $0x108  }
0x21: {  	s3 =	sadd.s32 s3, s9;
	s6 =	sadd.s32 @!p0 $0x88, s6;
	s7 =	simm.s32 @p2 $0x1082  }
0x22: {  	[simem:s7], [sflag:s8] =	dma.local @!p0 [hbm:s6], $0xF7A  }
0x23: {  	s9 =	sor.u32 $0xD0000000, s2;
	s6 =	simm.s32 $0x108;
	_ =	swait.ge @!p0 [sflag:s8], $0x0  }
0x24: {  	s3 =	sadd.s32 $0x88, s3;
	s6 =	simm.s32 @!p1 $0x1082;
	[sflag:s4] =	ssyncset.s32 $0xFFFFF086  }
0x25: {  	[simem:s6], [sflag:s4] =	dma.local [hbm:s3], $0xF7A  }
0x26: {  	[smem:$0x3F98] =	sst s1;
	(tag) =	ssettag s2;
	_ =	strace s9  }
0x27: {  	s1 =	sld [smem:$0x3FA8]  }
0x28: {  	s2 =	sld [smem:$0x3FA9]  }
0x29: {  	s4 =	sld [smem:$0x3FAB]  }
0x2a: {  	p0 =	seq.s32 s5, $0x0;
	s5 =	sld [smem:$0x3FAC]  }
0x2b: {  	s6 =	sld [smem:$0x3FAD]  }
0x2c: {  	s7 =	sld [smem:$0x3FAE]  }
0x2d: {  	s3 =	simm.s32 $0x108;
	s8 =	sld [smem:$0x3FAF]  }
0x2e: {  	s3 =	simm.s32 @!p0 $0x1082;
	s9 =	sld [smem:$0x3FB0]  }
0x2f: {  	lr =	sadd.s32 s0, s3;
	s0 =	sld [smem:$0x3FA7]  }
0x30: {  	s3 =	sld [smem:$0x3FAA]  }
0x31: {  	[smem:$0x3FB3] =	sst s10  }
0x32: {  	s10 =	sld [smem:$0x3FB1];
	_ =	sdelay $0x3  }
0x33: {  	p0 =	seq.s32 s10, $0x1;
	s10 =	sld [smem:$0x3FB3];
	_ =	sdelay $0x3  }
0x34: {  	[smem:$0x3FB3] =	sst s10  }
0x35: {  	s10 =	sld [smem:$0x3FB2];
	_ =	sdelay $0x3  }
0x36: {  	p1 =	seq.s32 s10, $0x1;
	s10 =	sld [smem:$0x3FB3];
	_ =	sdelay $0x3  }
0x37: {  	[smem:$0x3FB3] =	sst s10  }
0x38: {  	s10 =	sld [smem:$0x3FB4]  }
0x39: {  	_ = 	snop;
	(pc) =	sbr.ind lr, $3  }
0x3a: {  	_ = 	snop  }
0x3b: {  	_ = 	snop  }
0x3c: {  	p2 =	seq.s32 s10, $0x1;
	s10 =	sld [smem:$0x3FB3]  }
0x3d: {  	_ =	shalt  }
0x3e: {  	_ =	shalt  }
0x3f: {  	_ =	shalt  }
0x40: {  	_ =	shalt  }
0x41: {  	_ =	shalt  }
0x42: {  	_ =	shalt  }
0x43: {  	_ =	shalt  }
0x44: {  	_ =	shalt  }
0x45: {  	_ =	shalt  }
0x46: {  	_ =	shalt  }
0x47: {  	_ =	shalt  }
0x48: {  	_ =	shalt  }
0x49: {  	_ =	shalt  }
0x4a: {  	_ =	shalt  }
0x4b: {  	_ =	shalt  }
0x4c: {  	_ =	shalt  }
0x4d: {  	_ =	shalt  }
0x4e: {  	_ =	shalt  }
0x4f: {  	_ =	shalt  }
0x50: {  	_ =	shalt  }
0x51: {  	_ =	shalt  }
0x52: {  	_ =	shalt  }
0x53: {  	_ =	shalt  }
0x54: {  	_ =	shalt  }
0x55: {  	_ =	shalt  }
0x56: {  	_ =	shalt  }
0x57: {  	_ =	shalt  }
0x58: {  	_ =	shalt  }
0x59: {  	_ =	shalt  }
0x5a: {  	_ =	shalt  }
0x5b: {  	_ =	shalt  }
0x5c: {  	_ =	shalt  }
0x5d: {  	_ =	shalt  }
0x5e: {  	_ =	shalt  }
0x5f: {  	_ =	shalt  }
0x60: {  	_ =	shalt  }
0x61: {  	_ =	shalt  }
0x62: {  	_ =	shalt  }
0x63: {  	_ =	shalt  }
0x64: {  	_ =	shalt  }
0x65: {  	_ =	shalt  }
0x66: {  	_ =	shalt  }
0x67: {  	_ =	shalt  }
0x68: {  	_ =	shalt  }
0x69: {  	_ =	shalt  }
0x6a: {  	_ =	shalt  }
0x6b: {  	_ =	shalt  }
0x6c: {  	_ =	shalt  }
0x6d: {  	_ =	shalt  }
0x6e: {  	_ =	shalt  }
0x6f: {  	_ =	shalt  }
0x70: {  	_ =	shalt  }
0x71: {  	_ =	shalt  }
0x72: {  	_ =	shalt  }
0x73: {  	_ =	shalt  }
0x74: {  	_ =	shalt  }
0x75: {  	_ =	shalt  }
0x76: {  	_ =	shalt  }
0x77: {  	_ =	shalt  }
0x78: {  	_ =	shalt  }
0x79: {  	_ =	shalt  }
0x7a: {  	_ =	shalt  }
0x7b: {  	_ =	shalt  }
0x7c: {  	_ =	shalt  }
0x7d: {  	_ =	shalt  }
0x7e: {  	_ =	shalt  }
0x7f: {  	_ =	shalt  }
0x80: {  	_ =	shalt  }
0x81: {  	_ =	shalt  }
0x82: {  	_ =	shalt  }
0x83: {  	_ =	shalt  }
0x84: {  	_ =	shalt  }
0x85: {  	_ =	shalt  }
0x86: {  	_ =	shalt  }
0x87: {  	_ =	shalt  }
.Lfunc_end0:
.L_simem_size_0:
called_computation_lowered:
.L_overlay_start_0:
0x88: {  	s2 =	sld [smem:$0x3FD9]  }
0x89: {  	s3 =	sld [smem:$0x3FFE];
	_ =	sdelay $0x1  }
0x8a: {  	s1 =	srdreg.scid  }
0x8b: {  	s0 =	sand.u32 $0x1, s1  }
0x8c: {  	s17 =	sshll.u32 s0, $0xA;
	s2 =	sadd.s32 s3, s2  }
0x8d: {  	s2 =	sadd.s32 s2, s17  }
0x8e: {  	[smem:$0x3FBF] =	sst s2  }
0x8f: {  	_ = 	snop  }
0x90: {  	s2 =	sld [smem:$0x3FC9]  }
0x91: {  	s18 =	sld [smem:$0x3FD0];
	(tm) =	ssettm $0x1  }
0x92: {  	s4 =	sld [smem:$0x3FFB];
	_ =	sdelay $0x3  }
0x93: {  	_ =	strace s4  }
0x94: {  	s4 =	sld [smem:$0x3FFC];
	_ =	sdelay $0x3  }
0x95: {  	_ =	strace s4  }
0x96: {  	s4 =	sld [smem:$0x3FFD];
	_ =	sdelay $0x3  }
0x97: {  	_ =	strace s4  }
0x98: {  	_ =	strace $0x8FFFFFFF  }
0x99: {  	s19 =	sld [smem:$0x3FDB];
	_ =	sdelay $0x1  }
0x9a: {  	s5 =	simm.s32 $_scs_section_size  }
0x9b: {  	s6 =	simm.s32 $_size__tile_overlayer_lowered;
	s7 =	simm.s32 $_tile_overlayer_lowered  }
0x9c: {  	s22 =	simm.s32 $0x1BFF;
	s21 =	sshll.u32 s7, $0x1;
	s4 =	sadd.s32 s5, s19  }
0x9d: {  	s8 =	simm.s32 $0x0;
	s20 =	sshll.u32 s6, $0x1;
	s6 =	sadd.s32 s21, s4  }
0x9e: {  	[timem:s8], [sflag:s22] =	dma.local [hbm:s6], s20  }
0x9f: {  	_ =	swait.ge [sflag:s22], s20  }
0xa0: {  	s5 =	ssub.s32 $0x0, s20;
	[sflag:s22] =	ssyncset.done $0x0  }
0xa1: {  	[sflag:s22] =	ssyncadd.s32 s5;
	_ =	sdelay $0x1  }
0xa2: {  	s23 =	simm.s32 $0x1B8B  }
0xa3: {  	_ =	swait.ge [sflag:s23], $0x1  }
0xa4: {  	[sflag:s23] =	ssyncset.done $0x0  }
0xa5: {  	s25 =	simm.s32 $0x1B8E;
	s24 =	sld [smem:$0x3FFE];
	[sflag:s23] =	ssyncadd.s32 $0xFFFFFFFF  }
0xa6: {  	s26 =	simm.s32 $execute0_lowered;
	[smem:$0x3FD2] =	sst s25  }
0xa7: {  	s6 =	sshll.u32 s26, $0x1;
	_ =	strace $0x80000046;
	[dreg:$0x1] =	wrdreg $0xFFFFFFFF  }
0xa8: {  	s28 =	simm.s32 $_size_execute0_lowered;
	s4 =	sadd.s32 s4, s6;
	[dreg:$0x0] =	wrdreg $0x0  }
0xa9: {  	s6 =	sshll.u32 s28, $0x1;
	[dreg:$0x2] =	wrdreg s4  }
0xaa: {  	[dreg:$0x3] =	wrdreg s6  }
0xab: {  	[dreg:$0x4] =	wrdreg $0xC0  }
0xac: {  	_ =	task [dreg:s8], $0x5FFFF  }
0xad: {  	[dreg:$0x1] =	wrdreg $0xFFFFFFFF  }
0xae: {  	[dreg:$0x0] =	wrdreg $0x60  }
0xaf: {  	[dreg:$0x2] =	wrdreg s2  }
0xb0: {  	[dreg:$0x3] =	wrdreg s24  }
0xb1: {  	[dreg:$0x4] =	wrdreg s18  }
0xb2: {  	[dreg:$0x5] =	wrdreg $0xA0000  }
0xb3: {  	[dreg:$0x6] =	wrdreg $0x9  }
0xb4: {  	_ =	task.clear_ibuf [dreg:s8], $0x7FFFF;
	_ =	strace $0x90000046  }
0xb5: {  	s29 =	simm.s32 $0x9;
	_ =	strace $0x80000048  }
0xb6: {  	_ =	swait.ge [sflag:s29], $0x1  }
0xb7: {  	[sflag:s29] =	ssyncadd.s32 $0xFFFFFFFF  }
0xb8: {  	_ =	strace $0x90000048  }
0xb9: {  	_ =	sfence  }
0xba: {  	s30 =	sld [smem:$0x0];
	_ =	sdelay $0x2  }
0xbb: {  	s31 =	sshll.u32 s1, $0xD;
	s1 =	sshrl.u32 s1, $0x2  }
0xbc: {  	s3 =	sand.u32 $0x4000, s31;
	s1 =	sadd.s32 s1, s30  }
0xbd: {  	s0 =	sor.u32 s3, s0;
	s1 =	sshll.u32 s1, $0x11  }
0xbe: {  	s0 =	sor.u32 s1, s0  }
0xbf: {  	s0 =	sadd.s32 $0x8F2B, s0  }
0xc0: {  	[sflag:s0] =	ssyncadd.remote.s32 $0x1  }
0xc1: {  	_ =	sfence.sel $0xFFFF  }
0xc2: {  	[dreg:$0x0] =	wrdreg $0xFFFFFFFF;
	(pc) =	sbr.abs _section_cstart, $3  }
0xc3: {  	[dreg:$0x1] =	wrdreg $0xFFFFFFFF  }
0xc4: {  	_ =	task.clear_ibuf [dreg:s8], $0x2FFFF;
	_ =	strace $0x9FFFFFFF  }
0xc5: {  	(tm) =	ssettm $0x7FFFFFFF  }
tec
execute0_lowered:
.L_overlay_start_1:
0x0: {  	(tag) =	ssettag $0x1  }
0x1: {  	s1 =	rddreg [dreg:$0x0]  }
0x2: {  	s0 =	rddreg [dreg:$0x1]  }
0x3: {  	s3 =	rddreg [dreg:$0x2]  }
0x4: {  	s2 =	rddreg [dreg:$0x3]  }
0x5: {  	s4 =	simm.s32 $0x0;
	s5 =	srdreg.scid;
	s21 =	stileid.u32  }
0x6: {  	s28 =	simm.s32 $0x1000;
	s29 =	simm.s32 $0x80;
	s30 =	simm.s32 $0x6000  }
0x7: {  	s31 =	simm.s32 $0x1;
	[smem:$0x7FF] =	sst s4;
	s8 =	smul.u32 $0x50000, s21  }
0x8: {  	s7 =	sand.u32 $0x1, s5;
	s26 =	sadd.s32 $0x5C00, s0;
	s13 =	smul.u32 $0x14000, s21  }
0x9: {  	s22 =	sadd.s32 $0xC00, s0;
	s0 =	sadd.s32 $0xAC00, s0;
	s17 =	smul.u32 $0x2400, s21  }
0xa: {  	s19 =	smul.u32 $0x480, s21;
	s24 =	sshll.u32 s21, $0x7;
	_ =	strace $0x80000047  }
0xb: {  	s9 =	ssub.s32 $0x2, s7;
	[dreg:$0x6] =	wrdreg s0;
	p0 =	seq.s32 s7, $0x1  }
0xc: {  	s7 =	smul.u32 $0x140000, s7;
	[dreg:$0x5] =	wrdreg s26;
	s18 =	sshrl.u32 s9, $0x1  }
0xd: {  	s8 =	sshrl.u32 s8, $0x2;
	s14 =	sadd.s32 $0x4000, s13;
	s15 =	sadd.s32 $0x8000, s13  }
0xe: {  	s16 =	sadd.s32 $0xC000, s13;
	s17 =	sshrl.u32 s17, $0x3;
	s6 =	sadd.s32 s26, s19  }
0xf: {  	s19 =	sadd.s32 s22, s19;
	s0 =	ssub.s32 s9, s18;
	s8 =	sadd.s32 s8, s2  }
0x10: {  	s9 =	sadd.s32 s14, s2;
	s10 =	sadd.s32 s15, s2;
	s11 =	sadd.s32 s16, s2  }
0x11: {  	s18 =	sadd.s32 $0x10000, s13;
	[dreg:$0x7] =	wrdreg s6;
	s20 =	sadd.s32 $0x200, s17  }
0x12: {  	[dreg:$0x8] =	wrdreg s19;
	s6 =	smov.u32 s22;
	s23 =	sadd.s32 $0x400, s17  }
0x13: {  	s13 =	sadd.s32 s13, s7;
	s14 =	sadd.s32 s7, s14;
	s15 =	sadd.s32 s7, s15  }
0x14: {  	s16 =	sadd.s32 s7, s16;
	s17 =	simm.s32 $0x0;
	s12 =	sadd.s32 s18, s2  }
0x15: {  	s5 =	sadd.s32 s26, s20;
	s22 =	sadd.s32 s22, s20;
	[dreg:$0xb] =	wrdreg s23  }
0x16: {  	s7 =	sadd.s32 s7, s18;
	s13 =	sshrl.u32 s13, $0x3;
	s14 =	sshrl.u32 s14, $0x3  }
0x17: {  	s18 =	sor.u32 $0x4800, s24;
	s25 =	sshrl.u32 s15, $0x3;
	s26 =	sshrl.u32 s16, $0x3  }
0x18: {  	s24 =	smax.u32 s0, $0x1;
	s0 =	simm.s32 $0x2;
	s15 =	simm.s32 $0x1100  }
.Ltmp0:
0x19: {  	s16 =	simm.s32 $0x4;
	[dreg:$0x9] =	wrdreg s5;
	(pc) =	sbr.rel .LBB2_1-.Ltmp0, $4  }
0x1a: {  	[dreg:$0xa] =	wrdreg s22;
	s19 =	sadd.s32 s3, s13;
	s20 =	sadd.s32 s3, s14  }
0x1b: {  	s7 =	sshrl.u32 s7, $0x3;
	s21 =	sadd.s32 s3, s25;
	s22 =	sadd.s32 s3, s26  }
0x1c: {  	s25 =	simm.s32 $0x2000;
	s26 =	simm.s32 $0x5;
	s13 =	simm.s32 $0x3  }
0x1d: {  	s14 =	simm.s32 $0x100;
	s23 =	sadd.s32 s3, s7;
	s3 =	simm.s32 $0x1080  }
.LBB2_8:
0x1e: {  	_ =	swait.ge [sflag:s16], $0x4000  }
0x1f: {  	[sflag:s16] =	ssyncset.done $0x0  }
0x20: {  	s15 =	simm.s32 $0x1100;
	s7 =	rddreg [dreg:$0xb];
	[sflag:s16] =	ssyncadd.s32 $0xFFFFC000  }
.LBB2_9:
0x21: {  	s5 =	rddreg [dreg:$0x5]  }
0x22: {  	s5 =	sadd.s32 s5, s7  }
0x23: {  	[tilespmem:s4], [sflag:$0x5] =	stream.linear.gather [hbm4b:s5+s4], $0x400, $0x38;
	[tilespmem:$0x1E000] =	vst v63  }
0x24: {  	_ =	swait.ge [sflag:s26], $0x400  }
0x25: {  	[sflag:s26] =	ssyncset.done $0x0  }
0x26: {  	s7 =	sadd.s32 s6, s7;
	[sflag:s26] =	ssyncadd.s32 $0xFFFFFC00  }
0x27: {  	[tilespmem:s28], [sflag:$0x5] =	stream.linear.gather [hbm4b:s7+s4], $0x400, $0x38;
	[tilespmem:$0x1E000] =	vst v63  }
0x28: {  	_ =	swait.ge [sflag:s26], $0x400  }
0x29: {  	[sflag:s26] =	ssyncset.done $0x0  }
0x2a: {  	[sflag:s26] =	ssyncadd.s32 $0xFFFFFC00  }
0x2b: {  	[tilespmem:s25], [sflag:$0x1] =	stream.indirect.gather [hbm4b:s1+s29], $0x80, s4, s29, $0xb8;
	[tilespmem:$0x1E000] =	vst v63  }
0x2c: {  	_ = 	snop  }
0x2d: {  	[tilespmem:s30], [sflag:$0x2] =	stream.indirect.gather [hbm4b:s1+s29], $0x80, s29, s29, $0xb8;
	[tilespmem:$0x1E000] =	vst v63  }
0x2e: {  	_ =	swait.ge [sflag:s31], $0x4000  }
0x2f: {  	[sflag:s31] =	ssyncset.done $0x0  }
0x30: {  	[sflag:s31] =	ssyncadd.s32 $0xFFFFC000  }
0x31: {  	[spmem:s2] =	stream.indirect.scatter.add.f32 [tilespmem:s25], [sflag:$0x3], $0x80, s28, s29, $0xb8;
	[tilespmem:$0x1E000] =	vst v63  }
0x32: {  	_ =	swait.ge [sflag:s0], $0x4000  }
0x33: {  	[sflag:s0] =	ssyncset.done $0x0  }
0x34: {  	[sflag:s0] =	ssyncadd.s32 $0xFFFFC000  }
0x35: {  	[spmem:s2] =	stream.indirect.scatter.add.f32 [tilespmem:s30], [sflag:$0x4], $0x80, s3, s29, $0xb8;
	[tilespmem:$0x1E000] =	vst v63  }
0x36: {  	_ =	swait.ge [sflag:s13], $0x4000  }
0x37: {  	[sflag:s13] =	ssyncset.done $0x0  }
0x38: {  	[sflag:s13] =	ssyncadd.s32 $0xFFFFC000  }
0x39: {  	[tilespmem:s25], [sflag:$0x1] =	stream.indirect.gather [hbm4b:s1+s29], $0x80, s14, s29, $0xb8;
	[tilespmem:$0x1E000] =	vst v63  }
0x3a: {  	_ =	swait.ge [sflag:s31], $0x4000  }
0x3b: {  	[sflag:s31] =	ssyncset.done $0x0  }
0x3c: {  	[sflag:s31] =	ssyncadd.s32 $0xFFFFC000  }
0x3d: {  	[spmem:s2] =	stream.indirect.scatter.add.f32 [tilespmem:s25], [sflag:$0x3], $0x80, s15, s29, $0xb8;
	[tilespmem:$0x1E000] =	vst v63  }
0x3e: {  	_ =	swait.ge [sflag:s16], $0x4000  }
0x3f: {  	[sflag:s16] =	ssyncset.done $0x0  }
0x40: {  	s7 =	simm.s32 $0x180;
	[sflag:s16] =	ssyncadd.s32 $0xFFFFC000  }
0x41: {  	[tilespmem:s30], [sflag:$0x2] =	stream.indirect.gather [hbm4b:s1+s29], $0x80, s7, s29, $0xb8;
	[tilespmem:$0x1E000] =	vst v63  }
0x42: {  	_ =	swait.ge [sflag:s0], $0x4000  }
0x43: {  	[sflag:s0] =	ssyncset.done $0x0  }
0x44: {  	s7 =	simm.s32 $0x1180;
	[sflag:s0] =	ssyncadd.s32 $0xFFFFC000  }
0x45: {  	[spmem:s2] =	stream.indirect.scatter.add.f32 [tilespmem:s30], [sflag:$0x4], $0x80, s7, s29, $0xb8;
	[tilespmem:$0x1E000] =	vst v63  }
0x46: {  	_ =	swait.ge [sflag:s13], $0x4000  }
0x47: {  	[sflag:s13] =	ssyncset.done $0x0  }
0x48: {  	s7 =	simm.s32 $0x200;
	[sflag:s13] =	ssyncadd.s32 $0xFFFFC000  }
0x49: {  	[tilespmem:s25], [sflag:$0x1] =	stream.indirect.gather [hbm4b:s1+s29], $0x80, s7, s29, $0xb8;
	[tilespmem:$0x1E000] =	vst v63  }
0x4a: {  	_ =	swait.ge [sflag:s31], $0x4000  }
0x4b: {  	[sflag:s31] =	ssyncset.done $0x0  }
0x4c: {  	s7 =	simm.s32 $0x1200;
	[sflag:s31] =	ssyncadd.s32 $0xFFFFC000  }
0x4d: {  	[spmem:s2] =	stream.indirect.scatter.add.f32 [tilespmem:s25], [sflag:$0x3], $0x80, s7, s29, $0xb8;
	[tilespmem:$0x1E000] =	vst v63  }
0x4e: {  	_ =	swait.ge [sflag:s16], $0x4000  }
0x4f: {  	[sflag:s16] =	ssyncset.done $0x0  }
0x50: {  	s7 =	simm.s32 $0x280;
	[sflag:s16] =	ssyncadd.s32 $0xFFFFC000  }
0x51: {  	[tilespmem:s30], [sflag:$0x2] =	stream.indirect.gather [hbm4b:s1+s29], $0x80, s7, s29, $0xb8;
	[tilespmem:$0x1E000] =	vst v63  }
0x52: {  	_ =	swait.ge [sflag:s0], $0x4000  }
0x53: {  	[sflag:s0] =	ssyncset.done $0x0  }
0x54: {  	s7 =	simm.s32 $0x1280;
	[sflag:s0] =	ssyncadd.s32 $0xFFFFC000  }
0x55: {  	[spmem:s2] =	stream.indirect.scatter.add.f32 [tilespmem:s30], [sflag:$0x4], $0x80, s7, s29, $0xb8;
	[tilespmem:$0x1E000] =	vst v63  }
0x56: {  	_ =	swait.ge [sflag:s13], $0x4000  }
0x57: {  	[sflag:s13] =	ssyncset.done $0x0  }
0x58: {  	s7 =	simm.s32 $0x300;
	[sflag:s13] =	ssyncadd.s32 $0xFFFFC000  }
0x59: {  	[tilespmem:s25], [sflag:$0x1] =	stream.indirect.gather [hbm4b:s1+s29], $0x80, s7, s29, $0xb8;
	[tilespmem:$0x1E000] =	vst v63  }
0x5a: {  	_ =	swait.ge [sflag:s31], $0x4000  }
0x5b: {  	[sflag:s31] =	ssyncset.done $0x0  }
0x5c: {  	s7 =	simm.s32 $0x1300;
	[sflag:s31] =	ssyncadd.s32 $0xFFFFC000  }
0x5d: {  	[spmem:s2] =	stream.indirect.scatter.add.f32 [tilespmem:s25], [sflag:$0x3], $0x80, s7, s29, $0xb8;
	[tilespmem:$0x1E000] =	vst v63  }
0x5e: {  	_ =	swait.ge [sflag:s16], $0x4000  }
0x5f: {  	[sflag:s16] =	ssyncset.done $0x0  }
0x60: {  	s7 =	simm.s32 $0x380;
	[sflag:s16] =	ssyncadd.s32 $0xFFFFC000  }
0x61: {  	[tilespmem:s30], [sflag:$0x2] =	stream.indirect.gather [hbm4b:s1+s29], $0x80, s7, s29, $0xb8;
	[tilespmem:$0x1E000] =	vst v63  }
0x62: {  	_ =	swait.ge [sflag:s0], $0x4000  }
0x63: {  	[sflag:s0] =	ssyncset.done $0x0  }
0x64: {  	s7 =	simm.s32 $0x1380;
	[sflag:s0] =	ssyncadd.s32 $0xFFFFC000  }
0x65: {  	[spmem:s2] =	stream.indirect.scatter.add.f32 [tilespmem:s30], [sflag:$0x4], $0x80, s7, s29, $0xb8;
	[tilespmem:$0x1E000] =	vst v63  }
0x66: {  	_ =	swait.ge [sflag:s13], $0x4000  }
0x67: {  	[sflag:s13] =	ssyncset.done $0x0  }
0x68: {  	[sflag:s13] =	ssyncadd.s32 $0xFFFFC000  }
0x69: {  	_ =	swait.ge [sflag:s16], $0x4000  }
0x6a: {  	[sflag:s16] =	ssyncset.done $0x0  }
0x6b: {  	[sflag:s16] =	ssyncadd.s32 $0xFFFFC000  }
0x6c: {  	[bflag:$0x0] =	sbarrier.arrive $0xFFFF  }
0x6d: {  	[tilespmem:s25], [sflag:$0x5] =	stream.linear.gather [spmem:s8], $0x4000, $0x38;
	[tilespmem:$0x1E000] =	vst v63  }
0x6e: {  	_ =	swait.ge [sflag:s26], $0x4000  }
0x6f: {  	[sflag:s26] =	ssyncset.done $0x0  }
0x70: {  	[sflag:s26] =	ssyncadd.s32 $0xFFFFC000  }
0x71: {  	[hbm4b:s19+s4] =	stream.linear.scatter [tilespmem:s25], [sflag:$0x1], $0x4000, $0x38;
	[tilespmem:$0x1E000] =	vst v63  }
0x72: {  	_ = 	snop  }
0x73: {  	[tilespmem:s30], [sflag:$0x5] =	stream.linear.gather [spmem:s9], $0x4000, $0x38;
	[tilespmem:$0x1E000] =	vst v63  }
0x74: {  	_ =	swait.ge [sflag:s26], $0x4000  }
0x75: {  	[sflag:s26] =	ssyncset.done $0x0  }
0x76: {  	[sflag:s26] =	ssyncadd.s32 $0xFFFFC000  }
0x77: {  	[hbm4b:s20+s4] =	stream.linear.scatter [tilespmem:s30], [sflag:$0x2], $0x4000, $0x38;
	[tilespmem:$0x1E000] =	vst v63  }
0x78: {  	_ =	swait.ge [sflag:s31], $0x4000  }
0x79: {  	[sflag:s31] =	ssyncset.done $0x0  }
0x7a: {  	[sflag:s31] =	ssyncadd.s32 $0xFFFFC000  }
0x7b: {  	[tilespmem:s25], [sflag:$0x5] =	stream.linear.gather [spmem:s10], $0x4000, $0x38;
	[tilespmem:$0x1E000] =	vst v63  }
0x7c: {  	_ =	swait.ge [sflag:s26], $0x4000  }
0x7d: {  	[sflag:s26] =	ssyncset.done $0x0  }
0x7e: {  	[sflag:s26] =	ssyncadd.s32 $0xFFFFC000  }
0x7f: {  	[hbm4b:s21+s4] =	stream.linear.scatter [tilespmem:s25], [sflag:$0x1], $0x4000, $0x38;
	[tilespmem:$0x1E000] =	vst v63  }
0x80: {  	_ =	swait.ge [sflag:s0], $0x4000  }
0x81: {  	[sflag:s0] =	ssyncset.done $0x0  }
0x82: {  	[sflag:s0] =	ssyncadd.s32 $0xFFFFC000  }
0x83: {  	[tilespmem:s30], [sflag:$0x5] =	stream.linear.gather [spmem:s11], $0x4000, $0x38;
	[tilespmem:$0x1E000] =	vst v63  }
0x84: {  	_ =	swait.ge [sflag:s26], $0x4000  }
0x85: {  	[sflag:s26] =	ssyncset.done $0x0  }
0x86: {  	[sflag:s26] =	ssyncadd.s32 $0xFFFFC000  }
0x87: {  	[hbm4b:s22+s4] =	stream.linear.scatter [tilespmem:s30], [sflag:$0x2], $0x4000, $0x38;
	[tilespmem:$0x1E000] =	vst v63  }
0x88: {  	_ =	swait.ge [sflag:s31], $0x4000  }
0x89: {  	[sflag:s31] =	ssyncset.done $0x0  }
0x8a: {  	[sflag:s31] =	ssyncadd.s32 $0xFFFFC000  }
0x8b: {  	[tilespmem:s25], [sflag:$0x5] =	stream.linear.gather [spmem:s12], $0x4000, $0x38;
	[tilespmem:$0x1E000] =	vst v63  }
0x8c: {  	_ =	swait.ge [sflag:s26], $0x4000  }
0x8d: {  	[sflag:s26] =	ssyncset.done $0x0  }
0x8e: {  	s17 =	sadd.s32 $0x1, s17;
	[sflag:s26] =	ssyncadd.s32 $0xFFFFC000  }
0x8f: {  	[hbm4b:s23+s4] =	stream.linear.scatter [tilespmem:s25], [sflag:$0x1], $0x4000, $0x38;
	[tilespmem:$0x1E000] =	vst v63  }
0x90: {  	p1 =	sne.s32 s17, s24;
	_ =	swait.ge [sflag:s31], $0x4000  }
.Ltmp1:
0x91: {  	[sflag:s31] =	ssyncset.done $0x0;
	(pc) =	sbr.rel @!p1 .LBB2_10-.Ltmp1, $4  }
0x92: {  	[sflag:s31] =	ssyncadd.s32 $0xFFFFC000  }
0x93: {  	_ =	swait.ge [sflag:s0], $0x4000  }
0x94: {  	[sflag:s0] =	ssyncset.done $0x0  }
0x95: {  	[sflag:s0] =	ssyncadd.s32 $0xFFFFC000  }
.LBB2_1:
0x96: {  	s5 =	rddreg [dreg:$0x6]  }
0x97: {  	[tilespmem:s25], [sflag:$0x5] =	stream.linear.gather [hbm4b:s5+s4], $0x4000, $0x38;
	[tilespmem:$0x1E000] =	vst v63  }
0x98: {  	_ =	swait.ge [sflag:s26], $0x4000  }
0x99: {  	[sflag:s26] =	ssyncset.done $0x0  }
0x9a: {  	[sflag:s26] =	ssyncadd.s32 $0xFFFFC000  }
0x9b: {  	[spmem:s8] =	stream.linear.scatter [tilespmem:s25], [sflag:$0x5], $0x4000, $0x38;
	[tilespmem:$0x1E000] =	vst v63  }
0x9c: {  	_ =	swait.ge [sflag:s26], $0x4000  }
0x9d: {  	[sflag:s26] =	ssyncset.done $0x0  }
0x9e: {  	[sflag:s26] =	ssyncadd.s32 $0xFFFFC000  }
0x9f: {  	[spmem:s9] =	stream.linear.scatter [tilespmem:s25], [sflag:$0x5], $0x4000, $0x38;
	[tilespmem:$0x1E000] =	vst v63  }
0xa0: {  	_ =	swait.ge [sflag:s26], $0x4000  }
0xa1: {  	[sflag:s26] =	ssyncset.done $0x0  }
0xa2: {  	[sflag:s26] =	ssyncadd.s32 $0xFFFFC000  }
0xa3: {  	[spmem:s10] =	stream.linear.scatter [tilespmem:s25], [sflag:$0x5], $0x4000, $0x38;
	[tilespmem:$0x1E000] =	vst v63  }
0xa4: {  	_ =	swait.ge [sflag:s26], $0x4000  }
0xa5: {  	[sflag:s26] =	ssyncset.done $0x0  }
0xa6: {  	[sflag:s26] =	ssyncadd.s32 $0xFFFFC000  }
0xa7: {  	[spmem:s11] =	stream.linear.scatter [tilespmem:s25], [sflag:$0x5], $0x4000, $0x38;
	[tilespmem:$0x1E000] =	vst v63  }
0xa8: {  	_ =	swait.ge [sflag:s26], $0x4000  }
0xa9: {  	[sflag:s26] =	ssyncset.done $0x0  }
0xaa: {  	[sflag:s26] =	ssyncadd.s32 $0xFFFFC000  }
0xab: {  	[spmem:s12] =	stream.linear.scatter [tilespmem:s25], [sflag:$0x5], $0x4000, $0x38;
	[tilespmem:$0x1E000] =	vst v63  }
.Ltmp2:
0xac: {  	_ =	swait.ge [sflag:s26], $0x4000;
	(pc) =	sbr.rel @p0 .LBB2_9-.Ltmp2, $4  }
0xad: {  	[sflag:s26] =	ssyncset.done $0x0  }
0xae: {  	[sflag:s26] =	ssyncadd.s32 $0xFFFFC000  }
0xaf: {  	[bflag:$0x0] =	sbarrier.arrive $0xFFFF  }
0xb0: {  	s7 =	smov.u32 s18  }
0xb1: {  	s5 =	rddreg [dreg:$0x7]  }
0xb2: {  	[tilespmem:s4], [sflag:$0x5] =	stream.linear.gather [hbm4b:s5+s4], $0x1000, $0x38;
	[tilespmem:$0x1E000] =	vst v63  }
0xb3: {  	_ =	swait.ge [sflag:s26], $0x1000  }
0xb4: {  	[sflag:s26] =	ssyncset.done $0x0  }
0xb5: {  	s15 =	rddreg [dreg:$0x8];
	[sflag:s26] =	ssyncadd.s32 $0xFFFFF000  }
0xb6: {  	[tilespmem:s28], [sflag:$0x5] =	stream.linear.gather [hbm4b:s15+s4], $0x1000, $0x38;
	[tilespmem:$0x1E000] =	vst v63  }
0xb7: {  	_ =	swait.ge [sflag:s26], $0x1000  }
0xb8: {  	[sflag:s26] =	ssyncset.done $0x0  }
0xb9: {  	[sflag:s26] =	ssyncadd.s32 $0xFFFFF000  }
0xba: {  	[tilespmem:s25], [sflag:$0x1] =	stream.indirect.gather [hbm4b:s1+s29], $0x80, s4, s29, $0xb8;
	[tilespmem:$0x1E000] =	vst v63  }
0xbb: {  	_ = 	snop  }
0xbc: {  	[tilespmem:s30], [sflag:$0x2] =	stream.indirect.gather [hbm4b:s1+s29], $0x80, s29, s29, $0xb8;
	[tilespmem:$0x1E000] =	vst v63  }
0xbd: {  	_ =	swait.ge [sflag:s31], $0x4000  }
0xbe: {  	[sflag:s31] =	ssyncset.done $0x0  }
0xbf: {  	[sflag:s31] =	ssyncadd.s32 $0xFFFFC000  }
0xc0: {  	[spmem:s2] =	stream.indirect.scatter.add.f32 [tilespmem:s25], [sflag:$0x3], $0x80, s28, s29, $0xb8;
	[tilespmem:$0x1E000] =	vst v63  }
0xc1: {  	_ =	swait.ge [sflag:s0], $0x4000  }
0xc2: {  	[sflag:s0] =	ssyncset.done $0x0  }
0xc3: {  	[sflag:s0] =	ssyncadd.s32 $0xFFFFC000  }
0xc4: {  	[spmem:s2] =	stream.indirect.scatter.add.f32 [tilespmem:s30], [sflag:$0x4], $0x80, s3, s29, $0xb8;
	[tilespmem:$0x1E000] =	vst v63  }
0xc5: {  	_ =	swait.ge [sflag:s13], $0x4000  }
0xc6: {  	[sflag:s13] =	ssyncset.done $0x0  }
0xc7: {  	s15 =	simm.s32 $0xFFFFC800;
	[sflag:s13] =	ssyncadd.s32 $0xFFFFC000  }
0xc8: {  	[tilespmem:s25], [sflag:$0x1] =	stream.indirect.gather [hbm4b:s1+s29], $0x80, s14, s29, $0xb8;
	[tilespmem:$0x1E000] =	vst v63  }
.LBB2_3:
0xc9: {  	_ =	swait.ge [sflag:s31], $0x4000  }
0xca: {  	s7 =	sshra.s32 s15, $0x2;
	[sflag:s31] =	ssyncset.done $0x0  }
0xcb: {  	s5 =	sadd.s32 $0x1F00, s7;
	[sflag:s31] =	ssyncadd.s32 $0xFFFFC000  }
0xcc: {  	[spmem:s2] =	stream.indirect.scatter.add.f32 [tilespmem:s25], [sflag:$0x3], $0x80, s5, s29, $0xb8;
	[tilespmem:$0x1E000] =	vst v63  }
0xcd: {  	_ =	swait.ge [sflag:s16], $0x4000  }
0xce: {  	[sflag:s16] =	ssyncset.done $0x0  }
0xcf: {  	s5 =	sadd.s32 $0xF80, s7;
	[sflag:s16] =	ssyncadd.s32 $0xFFFFC000  }
0xd0: {  	[tilespmem:s30], [sflag:$0x2] =	stream.indirect.gather [hbm4b:s1+s29], $0x80, s5, s29, $0xb8;
	[tilespmem:$0x1E000] =	vst v63  }
0xd1: {  	_ =	swait.ge [sflag:s0], $0x4000  }
0xd2: {  	p1 =	seq.s32 s15, $0x0;
	[sflag:s0] =	ssyncset.done $0x0  }
.Ltmp3:
0xd3: {  	s5 =	sadd.s32 $0x1F80, s7;
	[sflag:s0] =	ssyncadd.s32 $0xFFFFC000;
	(pc) =	sbr.rel @p1 .LBB2_5-.Ltmp3, $4  }
0xd4: {  	[spmem:s2] =	stream.indirect.scatter.add.f32 [tilespmem:s30], [sflag:$0x4], $0x80, s5, s29, $0xb8;
	[tilespmem:$0x1E000] =	vst v63  }
0xd5: {  	_ =	swait.ge [sflag:s13], $0x4000  }
0xd6: {  	[sflag:s13] =	ssyncset.done $0x0  }
0xd7: {  	[sflag:s13] =	ssyncadd.s32 $0xFFFFC000  }
.Ltmp4:
0xd8: {  	(pc) =	sbr.rel .LBB2_3-.Ltmp4, $3  }
0xd9: {  	_ =	sdelay $0x1  }
0xda: {  	s5 =	sadd.s32 $0x1000, s7;
	s15 =	sadd.s32 $0x400, s15  }
0xdb: {  	[tilespmem:s25], [sflag:$0x1] =	stream.indirect.gather [hbm4b:s1+s29], $0x80, s5, s29, $0xb8;
	[tilespmem:$0x1E000] =	vst v63  }
.LBB2_5:
0xdc: {  	_ =	swait.ge [sflag:s16], $0x4000  }
0xdd: {  	[sflag:s16] =	ssyncset.done $0x0  }
0xde: {  	s5 =	rddreg [dreg:$0x9];
	[sflag:s16] =	ssyncadd.s32 $0xFFFFC000  }
0xdf: {  	[tilespmem:s4], [sflag:$0x5] =	stream.linear.gather [hbm4b:s5+s4], $0x1000, $0x38;
	[tilespmem:$0x1E000] =	vst v63  }
0xe0: {  	_ =	swait.ge [sflag:s26], $0x1000  }
0xe1: {  	[sflag:s26] =	ssyncset.done $0x0  }
0xe2: {  	s15 =	rddreg [dreg:$0xa];
	[sflag:s26] =	ssyncadd.s32 $0xFFFFF000  }
0xe3: {  	[tilespmem:s28], [sflag:$0x5] =	stream.linear.gather [hbm4b:s15+s4], $0x1000, $0x38;
	[tilespmem:$0x1E000] =	vst v63  }
0xe4: {  	_ =	swait.ge [sflag:s26], $0x1000  }
0xe5: {  	[sflag:s26] =	ssyncset.done $0x0  }
0xe6: {  	[sflag:s26] =	ssyncadd.s32 $0xFFFFF000  }
0xe7: {  	[tilespmem:s25], [sflag:$0x1] =	stream.indirect.gather [hbm4b:s1+s29], $0x80, s4, s29, $0xb8;
	[tilespmem:$0x1E000] =	vst v63  }
0xe8: {  	_ = 	snop  }
0xe9: {  	[tilespmem:s30], [sflag:$0x2] =	stream.indirect.gather [hbm4b:s1+s29], $0x80, s29, s29, $0xb8;
	[tilespmem:$0x1E000] =	vst v63  }
0xea: {  	_ =	swait.ge [sflag:s31], $0x4000  }
0xeb: {  	[sflag:s31] =	ssyncset.done $0x0  }
0xec: {  	[sflag:s31] =	ssyncadd.s32 $0xFFFFC000  }
0xed: {  	[spmem:s2] =	stream.indirect.scatter.add.f32 [tilespmem:s25], [sflag:$0x3], $0x80, s28, s29, $0xb8;
	[tilespmem:$0x1E000] =	vst v63  }
0xee: {  	_ =	swait.ge [sflag:s0], $0x4000  }
0xef: {  	[sflag:s0] =	ssyncset.done $0x0  }
0xf0: {  	[sflag:s0] =	ssyncadd.s32 $0xFFFFC000  }
0xf1: {  	[spmem:s2] =	stream.indirect.scatter.add.f32 [tilespmem:s30], [sflag:$0x4], $0x80, s3, s29, $0xb8;
	[tilespmem:$0x1E000] =	vst v63  }
0xf2: {  	_ =	swait.ge [sflag:s13], $0x4000  }
0xf3: {  	[sflag:s13] =	ssyncset.done $0x0  }
0xf4: {  	s15 =	simm.s32 $0xFFFFC800;
	[sflag:s13] =	ssyncadd.s32 $0xFFFFC000  }
0xf5: {  	[tilespmem:s25], [sflag:$0x1] =	stream.indirect.gather [hbm4b:s1+s29], $0x80, s14, s29, $0xb8;
	[tilespmem:$0x1E000] =	vst v63  }
.LBB2_6:
0xf6: {  	_ =	swait.ge [sflag:s31], $0x4000  }
0xf7: {  	s7 =	sshra.s32 s15, $0x2;
	[sflag:s31] =	ssyncset.done $0x0  }
0xf8: {  	s5 =	sadd.s32 $0x1F00, s7;
	[sflag:s31] =	ssyncadd.s32 $0xFFFFC000  }
0xf9: {  	[spmem:s2] =	stream.indirect.scatter.add.f32 [tilespmem:s25], [sflag:$0x3], $0x80, s5, s29, $0xb8;
	[tilespmem:$0x1E000] =	vst v63  }
0xfa: {  	_ =	swait.ge [sflag:s16], $0x4000  }
0xfb: {  	[sflag:s16] =	ssyncset.done $0x0  }
0xfc: {  	s5 =	sadd.s32 $0xF80, s7;
	[sflag:s16] =	ssyncadd.s32 $0xFFFFC000  }
0xfd: {  	[tilespmem:s30], [sflag:$0x2] =	stream.indirect.gather [hbm4b:s1+s29], $0x80, s5, s29, $0xb8;
	[tilespmem:$0x1E000] =	vst v63  }
0xfe: {  	_ =	swait.ge [sflag:s0], $0x4000  }
0xff: {  	p1 =	seq.s32 s15, $0x0;
	[sflag:s0] =	ssyncset.done $0x0  }
.Ltmp5:
0x100: {  	s5 =	sadd.s32 $0x1F80, s7;
	[sflag:s0] =	ssyncadd.s32 $0xFFFFC000;
	(pc) =	sbr.rel @p1 .LBB2_8-.Ltmp5, $4  }
0x101: {  	[spmem:s2] =	stream.indirect.scatter.add.f32 [tilespmem:s30], [sflag:$0x4], $0x80, s5, s29, $0xb8;
	[tilespmem:$0x1E000] =	vst v63  }
0x102: {  	_ =	swait.ge [sflag:s13], $0x4000  }
0x103: {  	[sflag:s13] =	ssyncset.done $0x0  }
0x104: {  	[sflag:s13] =	ssyncadd.s32 $0xFFFFC000  }
.Ltmp6:
0x105: {  	(pc) =	sbr.rel .LBB2_6-.Ltmp6, $3  }
0x106: {  	_ =	sdelay $0x1  }
0x107: {  	s5 =	sadd.s32 $0x1000, s7;
	s15 =	sadd.s32 $0x400, s15  }
0x108: {  	[tilespmem:s25], [sflag:$0x1] =	stream.indirect.gather [hbm4b:s1+s29], $0x80, s5, s29, $0xb8;
	[tilespmem:$0x1E000] =	vst v63  }
.LBB2_10:
0x109: {  	_ =	sfence.sel $0x180000  }
0x10a: {  	[bflag:$0x0] =	sbarrier.arrive $0xFFFF  }
0x10b: {  	_ =	strace $0x90000047  }
0x10c: {  	s0 =	stileid.u32;
	[bflag:$0x2] =	sbarrier.arrive $0xFFFF  }
0x10d: {  	p0 =	sne.s32 s0, $0x0;
	s0 =	rddreg [dreg:$0x4]  }
0x10e: {  	s0 =	sadd.s32 @!p0 $0x100000, s0  }
0x10f: {  	[sflag:s0] =	ssyncadd.tile.s32 @!p0 $0x1;
	_ =	shalt  }
.Lfunc_end2:
_tile_overlayer_lowered:
.L_overlay_start_2:
0x110: {  	(tag) =	ssettag $0x2  }
0x111: {  	s0 =	rddreg [dreg:$0x0];
	s2 =	stileid.u32  }
0x112: {  	s1 =	rddreg [dreg:$0x1];
	p0 =	sne.s32 s2, $0x0  }
0x113: {  	s3 =	rddreg [dreg:$0x2];
	[bflag:$0x3] =	sbarrier.arrive $0xFFFF;
	s2 =	simm.s32 @!p0 $0x1C05  }
0x114: {  	[timem:s3], [sflag:s2] =	dma.local @!p0 [hbm:s0], s1  }
0x115: {  	s0 =	simm.s32 @!p0 $0x5  }
0x116: {  	_ =	swait.ge @!p0 [sflag:s0], s1  }
0x117: {  	s1 =	ssub.s32 @!p0 $0x0, s1;
	[sflag:s0] =	ssyncset.done @!p0 $0x0  }
0x118: {  	[sflag:s0] =	ssyncadd.s32 @!p0 s1  }
0x119: {  	[bflag:$0x3] =	sbarrier.arrive $0xFFFF  }
0x11a: {  	_ =	shalt  }

</sc_bundles>
